<compile_context>
chip_gen: v7x
topology: tpu7x:2x2x1
jax: 0.10.2.dev20260603
libtpu: 0.0.44.dev20260713+nightly
codegen_flags: <defaults>
</compile_context>

<pallas_src>
import functools

import numpy as np
import jax
import jax.numpy as jnp
from jax import lax
from jax.experimental import pallas as pl
from jax.experimental.pallas import tpu as pltpu
from jax.experimental.pallas import tpu_sc as plsc

B, H, W, C = 4, 384, 384, 96
N = B * H * W

_i, _j = np.meshgrid(np.arange(H), np.arange(W), indexing="ij")
_src = (((41 * _i - 29 * _j) % H) * W + (-58 * _i + 41 * _j) % W).ravel()
_PERM = (_src[None, :] + (np.arange(B) * H * W)[:, None]).ravel().astype(np.int32)

_SC_INFO = plsc.get_sparse_core_info()
NC, NS = _SC_INFO.num_cores, _SC_INFO.num_subcores
NW = NC * NS
RPW = N // NW
K = 128
NCHUNK = RPW // K
NBUF = 6
LOOKAHEAD = 3
CP = 128


def _sc_gather(table, perm):
    mesh = plsc.VectorSubcoreMesh(core_axis_name="c", subcore_axis_name="s")

    @functools.partial(
        pl.kernel,
        mesh=mesh,
        out_type=jax.ShapeDtypeStruct((N, CP), jnp.float32),
        compiler_params=pltpu.CompilerParams(use_tc_tiling_on_sc=False),
        scratch_types=(
            [pltpu.VMEM((NCHUNK, K), jnp.int32)]
            + [pltpu.VMEM((K, CP), jnp.float32) for _ in range(NBUF)]
            + [pltpu.SemaphoreType.DMA for _ in range(2 * NBUF)]
        ),
    )
    def k(table_hbm, perm_hbm, out_hbm, idx_all, *rest):
        rows = rest[:NBUF]
        gsem = rest[NBUF:2 * NBUF]
        wsem = rest[2 * NBUF:]
        wid = lax.axis_index("s") * NC + lax.axis_index("c")
        base = wid * RPW

        pltpu.sync_copy(perm_hbm.at[wid], idx_all)

        def g_desc(n, s):
            return pltpu.make_async_copy(
                table_hbm.at[idx_all.at[n]], rows[s], gsem[s])

        def w_desc(n, s):
            return pltpu.make_async_copy(
                rows[s], out_hbm.at[pl.ds(base + n * K, K)], wsem[s])

        for s in range(LOOKAHEAD):
            g_desc(s, s).start()

        @pl.loop(0, NCHUNK, step=NBUF)
        def grp(n0):
            for s in range(NBUF):
                n = n0 + s
                g_desc(n, s).wait()
                w_desc(n, s).start()
                m = n + LOOKAHEAD
                sm = (s + LOOKAHEAD) % NBUF

                @pl.when(m < NCHUNK)
                def _issue():
                    @pl.when(m >= NBUF)
                    def _drain():
                        w_desc(m - NBUF, sm).wait()
                    g_desc(m, sm).start()

        for s in range(NBUF):
            w_desc(NCHUNK - NBUF + s, s).wait()

    return k(table, perm)


def kernel(inputs):
    padded = jnp.pad(inputs, ((0, 0), (0, 0), (0, 0), (0, CP - C)))
    table = padded.reshape(N, CP)
    perm = jnp.asarray(_PERM.reshape(NW, NCHUNK, K))
    out = _sc_gather(table, perm)
    return out[:, :C].reshape(B, H, W, C)

# --- scband reference (transcript-rebuilt; emitter-appended) ---
"""Pipeline reference for scband-inverse-arnold-cat-23536420782185 (READ-ONLY COPY).

The authoritative reference and input builder live on the scoring server;
editing this copy changes nothing except your own understanding.
"""

import jax, jax.numpy as jnp
import numpy as np

ITERATIONS = 5


def setup_inputs(seed: int = 0) -> dict:
    key = jax.random.key(seed)
    inputs = jax.random.normal(key, (4, 384, 384, 96), dtype=jnp.float32)
    return {"inputs": inputs}


def _descramble(img):
    # img: [H, W, C]
    H, W = img.shape[0], img.shape[1]
    for _ in range(ITERATIONS):
        # tf.meshgrid default indexing='xy' -> x, y have shape [H, W]
        x, y = jnp.meshgrid(jnp.arange(W), jnp.arange(H))
        new_x = jnp.mod(-2 * x + y, W)
        new_y = jnp.mod(x - y, H)
        # tf: indices = tf.transpose(tf.stack([new_y, new_x], axis=0)) -> shape [W, H, 2]
        # tf.gather_nd(img, indices)[i, j] = img[new_y[j, i], new_x[j, i]]
        img = img[new_y.T, new_x.T]
    return img


def reference(inputs):
    return jax.vmap(_descramble)(inputs)

if __name__ == "__main__":
    import jax
    _d = setup_inputs()
    print(jax.jit(kernel)(*tuple(_d.values())))

</pallas_src>

<mosaic_0001>
#map = affine_map<(d0, d1) -> (0, 0)>
#map1 = affine_map<(d0, d1) -> (0, 0, 0)>
module attributes {stable_mosaic.version = 14 : i64} {
  func.func @k(%arg0: i32, %arg1: i32, %arg2: memref<589824x128xf32, #tpu.memory_space<hbm>>, %arg3: memref<32x144x128xi32, #tpu.memory_space<hbm>>, %arg4: memref<589824x128xf32, #tpu.memory_space<hbm>>, %arg5: memref<144x128xi32, #tpu.memory_space<vmem>>, %arg6: memref<128x128xf32, #tpu.memory_space<vmem>>, %arg7: memref<128x128xf32, #tpu.memory_space<vmem>>, %arg8: memref<128x128xf32, #tpu.memory_space<vmem>>, %arg9: memref<128x128xf32, #tpu.memory_space<vmem>>, %arg10: memref<128x128xf32, #tpu.memory_space<vmem>>, %arg11: memref<128x128xf32, #tpu.memory_space<vmem>>, %arg12: memref<!tpu.dma_semaphore, #tpu.memory_space<semaphore_mem>>, %arg13: memref<!tpu.dma_semaphore, #tpu.memory_space<semaphore_mem>>, %arg14: memref<!tpu.dma_semaphore, #tpu.memory_space<semaphore_mem>>, %arg15: memref<!tpu.dma_semaphore, #tpu.memory_space<semaphore_mem>>, %arg16: memref<!tpu.dma_semaphore, #tpu.memory_space<semaphore_mem>>, %arg17: memref<!tpu.dma_semaphore, #tpu.memory_space<semaphore_mem>>, %arg18: memref<!tpu.dma_semaphore, #tpu.memory_space<semaphore_mem>>, %arg19: memref<!tpu.dma_semaphore, #tpu.memory_space<semaphore_mem>>, %arg20: memref<!tpu.dma_semaphore, #tpu.memory_space<semaphore_mem>>, %arg21: memref<!tpu.dma_semaphore, #tpu.memory_space<semaphore_mem>>, %arg22: memref<!tpu.dma_semaphore, #tpu.memory_space<semaphore_mem>>, %arg23: memref<!tpu.dma_semaphore, #tpu.memory_space<semaphore_mem>>) attributes {dimension_semantics = [#tpu.dimension_semantics<core_parallel>, #tpu.dimension_semantics<subcore_parallel>], iteration_bounds = array<i64: 2, 16>, scalar_prefetch = 0 : i64, scratch_operands = 19 : i64, tpu.core_type = #tpu.core_type<sc_vector_subcore>, window_params = [{transform_indices = #map}, {transform_indices = #map1}, {transform_indices = #map}]} {
    %mul3A = arith.constant 2 : i32
    %mul3A_0 = arith.muli %arg1, %mul3A : i32
    %add3A = arith.addi %mul3A_0, %arg0 : i32
    %mul3A_1 = arith.constant 18432 : i32
    %mul3A_2 = arith.muli %add3A, %mul3A_1 : i32
    "tpu.region"() ({
      %run_scoped3A = tpu.sem_alloc : memref<!tpu.dma_semaphore, #tpu.memory_space<semaphore_mem>>
      %dma_start3A_62 = arith.constant 0 : i32
      %dma_start3A_63 = arith.constant 0 : i32
      %dma_start3A_64 = tpu.memref_slice %arg3[%add3A, %dma_start3A_62, %dma_start3A_63] : memref<32x144x128xi32, #tpu.memory_space<hbm>> -> memref<1x144x128xi32, #tpu.memory_space<hbm>>
      %dma_start3A_65 = tpu.memref_squeeze %dma_start3A_64 : memref<1x144x128xi32, #tpu.memory_space<hbm>> -> memref<144x128xi32, #tpu.memory_space<hbm>>
      %dma_start3A_66 = arith.constant 0 : i32
      %dma_start3A_67 = arith.constant 0 : i32
      %dma_start3A_68 = tpu.memref_slice %arg3[%add3A, %dma_start3A_66, %dma_start3A_67] : memref<32x144x128xi32, #tpu.memory_space<hbm>> -> memref<1x144x128xi32, #tpu.memory_space<hbm>>
      %dma_start3A_69 = tpu.memref_squeeze %dma_start3A_68 : memref<1x144x128xi32, #tpu.memory_space<hbm>> -> memref<144x128xi32, #tpu.memory_space<hbm>>
      tpu.enqueue_dma source(%dma_start3A_69 : memref<144x128xi32, #tpu.memory_space<hbm>>) target(%arg5 : memref<144x128xi32, #tpu.memory_space<vmem>>) target_semaphore(%run_scoped3A : memref<!tpu.dma_semaphore, #tpu.memory_space<semaphore_mem>>)
      %dma_wait3A_70 = arith.constant 0 : i32
      %dma_wait3A_71 = arith.constant 0 : i32
      %dma_wait3A_72 = tpu.memref_slice %arg3[%add3A, %dma_wait3A_70, %dma_wait3A_71] : memref<32x144x128xi32, #tpu.memory_space<hbm>> -> memref<1x144x128xi32, #tpu.memory_space<hbm>>
      %dma_wait3A_73 = tpu.memref_squeeze %dma_wait3A_72 : memref<1x144x128xi32, #tpu.memory_space<hbm>> -> memref<144x128xi32, #tpu.memory_space<hbm>>
      %dma_wait3A_74 = arith.constant 0 : i32
      %dma_wait3A_75 = arith.constant 0 : i32
      %dma_wait3A_76 = tpu.memref_slice %arg3[%add3A, %dma_wait3A_74, %dma_wait3A_75] : memref<32x144x128xi32, #tpu.memory_space<hbm>> -> memref<1x144x128xi32, #tpu.memory_space<hbm>>
      %dma_wait3A_77 = tpu.memref_squeeze %dma_wait3A_76 : memref<1x144x128xi32, #tpu.memory_space<hbm>> -> memref<144x128xi32, #tpu.memory_space<hbm>>
      tpu.wait_dma2 semaphore(%run_scoped3A : memref<!tpu.dma_semaphore, #tpu.memory_space<semaphore_mem>>) src(%dma_wait3A_77 : memref<144x128xi32, #tpu.memory_space<hbm>>) dst(%arg5 : memref<144x128xi32, #tpu.memory_space<vmem>>)
      tpu.yield
    }) : () -> ()
    %dma_start3A = arith.constant 0 : i32
    %dma_start3A_3 = arith.constant 0 : i32
    %dma_start3A_4 = tpu.memref_slice %arg5[%dma_start3A, %dma_start3A_3] : memref<144x128xi32, #tpu.memory_space<vmem>> -> memref<1x128xi32, #tpu.memory_space<vmem>>
    %dma_start3A_5 = tpu.memref_squeeze %dma_start3A_4 : memref<1x128xi32, #tpu.memory_space<vmem>> -> memref<128xi32, #tpu.memory_space<vmem>>
    %dma_start3A_6 = arith.constant 0 : i32
    %dma_start3A_7 = arith.constant 0 : i32
    %dma_start3A_8 = tpu.memref_slice %arg2[%dma_start3A_6, %dma_start3A_7] : memref<589824x128xf32, #tpu.memory_space<hbm>> -> memref<589824x128xf32, #tpu.memory_space<hbm>>
    tpu.enqueue_indirect_dma source(%dma_start3A_8 : memref<589824x128xf32, #tpu.memory_space<hbm>>) target(%arg6 : memref<128x128xf32, #tpu.memory_space<vmem>>) offsets(%dma_start3A_5 : memref<128xi32, #tpu.memory_space<vmem>>) semaphore(%arg12 : memref<!tpu.dma_semaphore, #tpu.memory_space<semaphore_mem>>)
    %dma_start3A_9 = arith.constant 1 : i32
    %dma_start3A_10 = arith.constant 0 : i32
    %dma_start3A_11 = tpu.memref_slice %arg5[%dma_start3A_9, %dma_start3A_10] : memref<144x128xi32, #tpu.memory_space<vmem>> -> memref<1x128xi32, #tpu.memory_space<vmem>>
    %dma_start3A_12 = tpu.memref_squeeze %dma_start3A_11 : memref<1x128xi32, #tpu.memory_space<vmem>> -> memref<128xi32, #tpu.memory_space<vmem>>
    %dma_start3A_13 = arith.constant 0 : i32
    %dma_start3A_14 = arith.constant 0 : i32
    %dma_start3A_15 = tpu.memref_slice %arg2[%dma_start3A_13, %dma_start3A_14] : memref<589824x128xf32, #tpu.memory_space<hbm>> -> memref<589824x128xf32, #tpu.memory_space<hbm>>
    tpu.enqueue_indirect_dma source(%dma_start3A_15 : memref<589824x128xf32, #tpu.memory_space<hbm>>) target(%arg7 : memref<128x128xf32, #tpu.memory_space<vmem>>) offsets(%dma_start3A_12 : memref<128xi32, #tpu.memory_space<vmem>>) semaphore(%arg13 : memref<!tpu.dma_semaphore, #tpu.memory_space<semaphore_mem>>)
    %dma_start3A_16 = arith.constant 2 : i32
    %dma_start3A_17 = arith.constant 0 : i32
    %dma_start3A_18 = tpu.memref_slice %arg5[%dma_start3A_16, %dma_start3A_17] : memref<144x128xi32, #tpu.memory_space<vmem>> -> memref<1x128xi32, #tpu.memory_space<vmem>>
    %dma_start3A_19 = tpu.memref_squeeze %dma_start3A_18 : memref<1x128xi32, #tpu.memory_space<vmem>> -> memref<128xi32, #tpu.memory_space<vmem>>
    %dma_start3A_20 = arith.constant 0 : i32
    %dma_start3A_21 = arith.constant 0 : i32
    %dma_start3A_22 = tpu.memref_slice %arg2[%dma_start3A_20, %dma_start3A_21] : memref<589824x128xf32, #tpu.memory_space<hbm>> -> memref<589824x128xf32, #tpu.memory_space<hbm>>
    tpu.enqueue_indirect_dma source(%dma_start3A_22 : memref<589824x128xf32, #tpu.memory_space<hbm>>) target(%arg8 : memref<128x128xf32, #tpu.memory_space<vmem>>) offsets(%dma_start3A_19 : memref<128xi32, #tpu.memory_space<vmem>>) semaphore(%arg14 : memref<!tpu.dma_semaphore, #tpu.memory_space<semaphore_mem>>)
    %scan3A = arith.constant 0 : i32
    %scan3A_23 = arith.constant 24 : i32
    %scan3A_24 = arith.addi %scan3A, %scan3A_23 : i32
    %scan3A_25 = arith.constant 1 : i32
    scf.for %scan3A_62 = %scan3A to %scan3A_24 step %scan3A_25  : i32 {
      %mul3A_63 = arith.constant 6 : i32
      %mul3A_64 = arith.muli %scan3A_62, %mul3A_63 : i32
      %add3A_65 = arith.constant 0 : i32
      %add3A_66 = arith.addi %add3A_65, %mul3A_64 : i32
      %add3A_67 = arith.constant 0 : i32
      %add3A_68 = arith.addi %add3A_66, %add3A_67 : i32
      %dma_wait3A_69 = arith.constant 0 : i32
      %dma_wait3A_70 = tpu.memref_slice %arg5[%add3A_68, %dma_wait3A_69] : memref<144x128xi32, #tpu.memory_space<vmem>> -> memref<1x128xi32, #tpu.memory_space<vmem>>
      %dma_wait3A_71 = tpu.memref_squeeze %dma_wait3A_70 : memref<1x128xi32, #tpu.memory_space<vmem>> -> memref<128xi32, #tpu.memory_space<vmem>>
      %dma_wait3A_72 = arith.constant 0 : i32
      %dma_wait3A_73 = arith.constant 0 : i32
      %dma_wait3A_74 = tpu.memref_slice %arg2[%dma_wait3A_72, %dma_wait3A_73] : memref<589824x128xf32, #tpu.memory_space<hbm>> -> memref<589824x128xf32, #tpu.memory_space<hbm>>
      tpu.wait_indirect_dma semaphore(%arg12 : memref<!tpu.dma_semaphore, #tpu.memory_space<semaphore_mem>>) src(%dma_wait3A_74 : memref<589824x128xf32, #tpu.memory_space<hbm>>) dst(%arg6 : memref<128x128xf32, #tpu.memory_space<vmem>>)
      %mul3A_75 = arith.constant 128 : i32
      %mul3A_76 = arith.muli %add3A_68, %mul3A_75 : i32
      %add3A_77 = arith.addi %mul3A_2, %mul3A_76 : i32
      %dma_start3A_78 = arith.constant 0 : i32
      %dma_start3A_79 = tpu.memref_slice %arg4[%add3A_77, %dma_start3A_78] : memref<589824x128xf32, #tpu.memory_space<hbm>> -> memref<128x128xf32, #tpu.memory_space<hbm>>
      %dma_start3A_80 = arith.constant 0 : i32
      %dma_start3A_81 = tpu.memref_slice %arg4[%add3A_77, %dma_start3A_80] : memref<589824x128xf32, #tpu.memory_space<hbm>> -> memref<128x128xf32, #tpu.memory_space<hbm>>
      tpu.enqueue_dma source(%arg6 : memref<128x128xf32, #tpu.memory_space<vmem>>) target(%dma_start3A_81 : memref<128x128xf32, #tpu.memory_space<hbm>>) target_semaphore(%arg18 : memref<!tpu.dma_semaphore, #tpu.memory_space<semaphore_mem>>)
      %add3A_82 = arith.constant 3 : i32
      %add3A_83 = arith.addi %add3A_68, %add3A_82 : i32
      %lt3A = arith.constant 144 : i32
      %lt3A_84 = arith.cmpi slt, %add3A_83, %lt3A : i32
      %convert_element_type3A = arith.extui %lt3A_84 : i1 to i32
      %cond3A = arith.constant 0 : i32
      %cond3A_85 = arith.cmpi ne, %convert_element_type3A, %cond3A : i32
      scf.if %cond3A_85 {
        %ge3A = arith.constant 6 : i32
        %ge3A_196 = arith.cmpi sge, %add3A_83, %ge3A : i32
        %convert_element_type3A_197 = arith.extui %ge3A_196 : i1 to i32
        %cond3A_198 = arith.constant 0 : i32
        %cond3A_199 = arith.cmpi ne, %convert_element_type3A_197, %cond3A_198 : i32
        scf.if %cond3A_199 {
          %sub3A = arith.constant 6 : i32
          %sub3A_206 = arith.subi %add3A_83, %sub3A : i32
          %mul3A_207 = arith.constant 128 : i32
          %mul3A_208 = arith.muli %sub3A_206, %mul3A_207 : i32
          %add3A_209 = arith.addi %mul3A_2, %mul3A_208 : i32
          %dma_wait3A_210 = arith.constant 0 : i32
          %dma_wait3A_211 = tpu.memref_slice %arg4[%add3A_209, %dma_wait3A_210] : memref<589824x128xf32, #tpu.memory_space<hbm>> -> memref<128x128xf32, #tpu.memory_space<hbm>>
          %dma_wait3A_212 = arith.constant 0 : i32
          %dma_wait3A_213 = tpu.memref_slice %arg4[%add3A_209, %dma_wait3A_212] : memref<589824x128xf32, #tpu.memory_space<hbm>> -> memref<128x128xf32, #tpu.memory_space<hbm>>
          tpu.wait_dma2 semaphore(%arg21 : memref<!tpu.dma_semaphore, #tpu.memory_space<semaphore_mem>>) src(%arg9 : memref<128x128xf32, #tpu.memory_space<vmem>>) dst(%dma_wait3A_213 : memref<128x128xf32, #tpu.memory_space<hbm>>)
        } else {
        }
        %dma_start3A_200 = arith.constant 0 : i32
        %dma_start3A_201 = tpu.memref_slice %arg5[%add3A_83, %dma_start3A_200] : memref<144x128xi32, #tpu.memory_space<vmem>> -> memref<1x128xi32, #tpu.memory_space<vmem>>
        %dma_start3A_202 = tpu.memref_squeeze %dma_start3A_201 : memref<1x128xi32, #tpu.memory_space<vmem>> -> memref<128xi32, #tpu.memory_space<vmem>>
        %dma_start3A_203 = arith.constant 0 : i32
        %dma_start3A_204 = arith.constant 0 : i32
        %dma_start3A_205 = tpu.memref_slice %arg2[%dma_start3A_203, %dma_start3A_204] : memref<589824x128xf32, #tpu.memory_space<hbm>> -> memref<589824x128xf32, #tpu.memory_space<hbm>>
        tpu.enqueue_indirect_dma source(%dma_start3A_205 : memref<589824x128xf32, #tpu.memory_space<hbm>>) target(%arg9 : memref<128x128xf32, #tpu.memory_space<vmem>>) offsets(%dma_start3A_202 : memref<128xi32, #tpu.memory_space<vmem>>) semaphore(%arg15 : memref<!tpu.dma_semaphore, #tpu.memory_space<semaphore_mem>>)
      } else {
      }
      %add3A_86 = arith.constant 1 : i32
      %add3A_87 = arith.addi %add3A_66, %add3A_86 : i32
      %dma_wait3A_88 = arith.constant 0 : i32
      %dma_wait3A_89 = tpu.memref_slice %arg5[%add3A_87, %dma_wait3A_88] : memref<144x128xi32, #tpu.memory_space<vmem>> -> memref<1x128xi32, #tpu.memory_space<vmem>>
      %dma_wait3A_90 = tpu.memref_squeeze %dma_wait3A_89 : memref<1x128xi32, #tpu.memory_space<vmem>> -> memref<128xi32, #tpu.memory_space<vmem>>
      %dma_wait3A_91 = arith.constant 0 : i32
      %dma_wait3A_92 = arith.constant 0 : i32
      %dma_wait3A_93 = tpu.memref_slice %arg2[%dma_wait3A_91, %dma_wait3A_92] : memref<589824x128xf32, #tpu.memory_space<hbm>> -> memref<589824x128xf32, #tpu.memory_space<hbm>>
      tpu.wait_indirect_dma semaphore(%arg13 : memref<!tpu.dma_semaphore, #tpu.memory_space<semaphore_mem>>) src(%dma_wait3A_93 : memref<589824x128xf32, #tpu.memory_space<hbm>>) dst(%arg7 : memref<128x128xf32, #tpu.memory_space<vmem>>)
      %mul3A_94 = arith.constant 128 : i32
      %mul3A_95 = arith.muli %add3A_87, %mul3A_94 : i32
      %add3A_96 = arith.addi %mul3A_2, %mul3A_95 : i32
      %dma_start3A_97 = arith.constant 0 : i32
      %dma_start3A_98 = tpu.memref_slice %arg4[%add3A_96, %dma_start3A_97] : memref<589824x128xf32, #tpu.memory_space<hbm>> -> memref<128x128xf32, #tpu.memory_space<hbm>>
      %dma_start3A_99 = arith.constant 0 : i32
      %dma_start3A_100 = tpu.memref_slice %arg4[%add3A_96, %dma_start3A_99] : memref<589824x128xf32, #tpu.memory_space<hbm>> -> memref<128x128xf32, #tpu.memory_space<hbm>>
      tpu.enqueue_dma source(%arg7 : memref<128x128xf32, #tpu.memory_space<vmem>>) target(%dma_start3A_100 : memref<128x128xf32, #tpu.memory_space<hbm>>) target_semaphore(%arg19 : memref<!tpu.dma_semaphore, #tpu.memory_space<semaphore_mem>>)
      %add3A_101 = arith.constant 3 : i32
      %add3A_102 = arith.addi %add3A_87, %add3A_101 : i32
      %lt3A_103 = arith.constant 144 : i32
      %lt3A_104 = arith.cmpi slt, %add3A_102, %lt3A_103 : i32
      %convert_element_type3A_105 = arith.extui %lt3A_104 : i1 to i32
      %cond3A_106 = arith.constant 0 : i32
      %cond3A_107 = arith.cmpi ne, %convert_element_type3A_105, %cond3A_106 : i32
      scf.if %cond3A_107 {
        %ge3A = arith.constant 6 : i32
        %ge3A_196 = arith.cmpi sge, %add3A_102, %ge3A : i32
        %convert_element_type3A_197 = arith.extui %ge3A_196 : i1 to i32
        %cond3A_198 = arith.constant 0 : i32
        %cond3A_199 = arith.cmpi ne, %convert_element_type3A_197, %cond3A_198 : i32
        scf.if %cond3A_199 {
          %sub3A = arith.constant 6 : i32
          %sub3A_206 = arith.subi %add3A_102, %sub3A : i32
          %mul3A_207 = arith.constant 128 : i32
          %mul3A_208 = arith.muli %sub3A_206, %mul3A_207 : i32
          %add3A_209 = arith.addi %mul3A_2, %mul3A_208 : i32
          %dma_wait3A_210 = arith.constant 0 : i32
          %dma_wait3A_211 = tpu.memref_slice %arg4[%add3A_209, %dma_wait3A_210] : memref<589824x128xf32, #tpu.memory_space<hbm>> -> memref<128x128xf32, #tpu.memory_space<hbm>>
          %dma_wait3A_212 = arith.constant 0 : i32
          %dma_wait3A_213 = tpu.memref_slice %arg4[%add3A_209, %dma_wait3A_212] : memref<589824x128xf32, #tpu.memory_space<hbm>> -> memref<128x128xf32, #tpu.memory_space<hbm>>
          tpu.wait_dma2 semaphore(%arg22 : memref<!tpu.dma_semaphore, #tpu.memory_space<semaphore_mem>>) src(%arg10 : memref<128x128xf32, #tpu.memory_space<vmem>>) dst(%dma_wait3A_213 : memref<128x128xf32, #tpu.memory_space<hbm>>)
        } else {
        }
        %dma_start3A_200 = arith.constant 0 : i32
        %dma_start3A_201 = tpu.memref_slice %arg5[%add3A_102, %dma_start3A_200] : memref<144x128xi32, #tpu.memory_space<vmem>> -> memref<1x128xi32, #tpu.memory_space<vmem>>
        %dma_start3A_202 = tpu.memref_squeeze %dma_start3A_201 : memref<1x128xi32, #tpu.memory_space<vmem>> -> memref<128xi32, #tpu.memory_space<vmem>>
        %dma_start3A_203 = arith.constant 0 : i32
        %dma_start3A_204 = arith.constant 0 : i32
        %dma_start3A_205 = tpu.memref_slice %arg2[%dma_start3A_203, %dma_start3A_204] : memref<589824x128xf32, #tpu.memory_space<hbm>> -> memref<589824x128xf32, #tpu.memory_space<hbm>>
        tpu.enqueue_indirect_dma source(%dma_start3A_205 : memref<589824x128xf32, #tpu.memory_space<hbm>>) target(%arg10 : memref<128x128xf32, #tpu.memory_space<vmem>>) offsets(%dma_start3A_202 : memref<128xi32, #tpu.memory_space<vmem>>) semaphore(%arg16 : memref<!tpu.dma_semaphore, #tpu.memory_space<semaphore_mem>>)
      } else {
      }
      %add3A_108 = arith.constant 2 : i32
      %add3A_109 = arith.addi %add3A_66, %add3A_108 : i32
      %dma_wait3A_110 = arith.constant 0 : i32
      %dma_wait3A_111 = tpu.memref_slice %arg5[%add3A_109, %dma_wait3A_110] : memref<144x128xi32, #tpu.memory_space<vmem>> -> memref<1x128xi32, #tpu.memory_space<vmem>>
      %dma_wait3A_112 = tpu.memref_squeeze %dma_wait3A_111 : memref<1x128xi32, #tpu.memory_space<vmem>> -> memref<128xi32, #tpu.memory_space<vmem>>
      %dma_wait3A_113 = arith.constant 0 : i32
      %dma_wait3A_114 = arith.constant 0 : i32
      %dma_wait3A_115 = tpu.memref_slice %arg2[%dma_wait3A_113, %dma_wait3A_114] : memref<589824x128xf32, #tpu.memory_space<hbm>> -> memref<589824x128xf32, #tpu.memory_space<hbm>>
      tpu.wait_indirect_dma semaphore(%arg14 : memref<!tpu.dma_semaphore, #tpu.memory_space<semaphore_mem>>) src(%dma_wait3A_115 : memref<589824x128xf32, #tpu.memory_space<hbm>>) dst(%arg8 : memref<128x128xf32, #tpu.memory_space<vmem>>)
      %mul3A_116 = arith.constant 128 : i32
      %mul3A_117 = arith.muli %add3A_109, %mul3A_116 : i32
      %add3A_118 = arith.addi %mul3A_2, %mul3A_117 : i32
      %dma_start3A_119 = arith.constant 0 : i32
      %dma_start3A_120 = tpu.memref_slice %arg4[%add3A_118, %dma_start3A_119] : memref<589824x128xf32, #tpu.memory_space<hbm>> -> memref<128x128xf32, #tpu.memory_space<hbm>>
      %dma_start3A_121 = arith.constant 0 : i32
      %dma_start3A_122 = tpu.memref_slice %arg4[%add3A_118, %dma_start3A_121] : memref<589824x128xf32, #tpu.memory_space<hbm>> -> memref<128x128xf32, #tpu.memory_space<hbm>>
      tpu.enqueue_dma source(%arg8 : memref<128x128xf32, #tpu.memory_space<vmem>>) target(%dma_start3A_122 : memref<128x128xf32, #tpu.memory_space<hbm>>) target_semaphore(%arg20 : memref<!tpu.dma_semaphore, #tpu.memory_space<semaphore_mem>>)
      %add3A_123 = arith.constant 3 : i32
      %add3A_124 = arith.addi %add3A_109, %add3A_123 : i32
      %lt3A_125 = arith.constant 144 : i32
      %lt3A_126 = arith.cmpi slt, %add3A_124, %lt3A_125 : i32
      %convert_element_type3A_127 = arith.extui %lt3A_126 : i1 to i32
      %cond3A_128 = arith.constant 0 : i32
      %cond3A_129 = arith.cmpi ne, %convert_element_type3A_127, %cond3A_128 : i32
      scf.if %cond3A_129 {
        %ge3A = arith.constant 6 : i32
        %ge3A_196 = arith.cmpi sge, %add3A_124, %ge3A : i32
        %convert_element_type3A_197 = arith.extui %ge3A_196 : i1 to i32
        %cond3A_198 = arith.constant 0 : i32
        %cond3A_199 = arith.cmpi ne, %convert_element_type3A_197, %cond3A_198 : i32
        scf.if %cond3A_199 {
          %sub3A = arith.constant 6 : i32
          %sub3A_206 = arith.subi %add3A_124, %sub3A : i32
          %mul3A_207 = arith.constant 128 : i32
          %mul3A_208 = arith.muli %sub3A_206, %mul3A_207 : i32
          %add3A_209 = arith.addi %mul3A_2, %mul3A_208 : i32
          %dma_wait3A_210 = arith.constant 0 : i32
          %dma_wait3A_211 = tpu.memref_slice %arg4[%add3A_209, %dma_wait3A_210] : memref<589824x128xf32, #tpu.memory_space<hbm>> -> memref<128x128xf32, #tpu.memory_space<hbm>>
          %dma_wait3A_212 = arith.constant 0 : i32
          %dma_wait3A_213 = tpu.memref_slice %arg4[%add3A_209, %dma_wait3A_212] : memref<589824x128xf32, #tpu.memory_space<hbm>> -> memref<128x128xf32, #tpu.memory_space<hbm>>
          tpu.wait_dma2 semaphore(%arg23 : memref<!tpu.dma_semaphore, #tpu.memory_space<semaphore_mem>>) src(%arg11 : memref<128x128xf32, #tpu.memory_space<vmem>>) dst(%dma_wait3A_213 : memref<128x128xf32, #tpu.memory_space<hbm>>)
        } else {
        }
        %dma_start3A_200 = arith.constant 0 : i32
        %dma_start3A_201 = tpu.memref_slice %arg5[%add3A_124, %dma_start3A_200] : memref<144x128xi32, #tpu.memory_space<vmem>> -> memref<1x128xi32, #tpu.memory_space<vmem>>
        %dma_start3A_202 = tpu.memref_squeeze %dma_start3A_201 : memref<1x128xi32, #tpu.memory_space<vmem>> -> memref<128xi32, #tpu.memory_space<vmem>>
        %dma_start3A_203 = arith.constant 0 : i32
        %dma_start3A_204 = arith.constant 0 : i32
        %dma_start3A_205 = tpu.memref_slice %arg2[%dma_start3A_203, %dma_start3A_204] : memref<589824x128xf32, #tpu.memory_space<hbm>> -> memref<589824x128xf32, #tpu.memory_space<hbm>>
        tpu.enqueue_indirect_dma source(%dma_start3A_205 : memref<589824x128xf32, #tpu.memory_space<hbm>>) target(%arg11 : memref<128x128xf32, #tpu.memory_space<vmem>>) offsets(%dma_start3A_202 : memref<128xi32, #tpu.memory_space<vmem>>) semaphore(%arg17 : memref<!tpu.dma_semaphore, #tpu.memory_space<semaphore_mem>>)
      } else {
      }
      %add3A_130 = arith.constant 3 : i32
      %add3A_131 = arith.addi %add3A_66, %add3A_130 : i32
      %dma_wait3A_132 = arith.constant 0 : i32
      %dma_wait3A_133 = tpu.memref_slice %arg5[%add3A_131, %dma_wait3A_132] : memref<144x128xi32, #tpu.memory_space<vmem>> -> memref<1x128xi32, #tpu.memory_space<vmem>>
      %dma_wait3A_134 = tpu.memref_squeeze %dma_wait3A_133 : memref<1x128xi32, #tpu.memory_space<vmem>> -> memref<128xi32, #tpu.memory_space<vmem>>
      %dma_wait3A_135 = arith.constant 0 : i32
      %dma_wait3A_136 = arith.constant 0 : i32
      %dma_wait3A_137 = tpu.memref_slice %arg2[%dma_wait3A_135, %dma_wait3A_136] : memref<589824x128xf32, #tpu.memory_space<hbm>> -> memref<589824x128xf32, #tpu.memory_space<hbm>>
      tpu.wait_indirect_dma semaphore(%arg15 : memref<!tpu.dma_semaphore, #tpu.memory_space<semaphore_mem>>) src(%dma_wait3A_137 : memref<589824x128xf32, #tpu.memory_space<hbm>>) dst(%arg9 : memref<128x128xf32, #tpu.memory_space<vmem>>)
      %mul3A_138 = arith.constant 128 : i32
      %mul3A_139 = arith.muli %add3A_131, %mul3A_138 : i32
      %add3A_140 = arith.addi %mul3A_2, %mul3A_139 : i32
      %dma_start3A_141 = arith.constant 0 : i32
      %dma_start3A_142 = tpu.memref_slice %arg4[%add3A_140, %dma_start3A_141] : memref<589824x128xf32, #tpu.memory_space<hbm>> -> memref<128x128xf32, #tpu.memory_space<hbm>>
      %dma_start3A_143 = arith.constant 0 : i32
      %dma_start3A_144 = tpu.memref_slice %arg4[%add3A_140, %dma_start3A_143] : memref<589824x128xf32, #tpu.memory_space<hbm>> -> memref<128x128xf32, #tpu.memory_space<hbm>>
      tpu.enqueue_dma source(%arg9 : memref<128x128xf32, #tpu.memory_space<vmem>>) target(%dma_start3A_144 : memref<128x128xf32, #tpu.memory_space<hbm>>) target_semaphore(%arg21 : memref<!tpu.dma_semaphore, #tpu.memory_space<semaphore_mem>>)
      %add3A_145 = arith.constant 3 : i32
      %add3A_146 = arith.addi %add3A_131, %add3A_145 : i32
      %lt3A_147 = arith.constant 144 : i32
      %lt3A_148 = arith.cmpi slt, %add3A_146, %lt3A_147 : i32
      %convert_element_type3A_149 = arith.extui %lt3A_148 : i1 to i32
      %cond3A_150 = arith.constant 0 : i32
      %cond3A_151 = arith.cmpi ne, %convert_element_type3A_149, %cond3A_150 : i32
      scf.if %cond3A_151 {
        %ge3A = arith.constant 6 : i32
        %ge3A_196 = arith.cmpi sge, %add3A_146, %ge3A : i32
        %convert_element_type3A_197 = arith.extui %ge3A_196 : i1 to i32
        %cond3A_198 = arith.constant 0 : i32
        %cond3A_199 = arith.cmpi ne, %convert_element_type3A_197, %cond3A_198 : i32
        scf.if %cond3A_199 {
          %sub3A = arith.constant 6 : i32
          %sub3A_206 = arith.subi %add3A_146, %sub3A : i32
          %mul3A_207 = arith.constant 128 : i32
          %mul3A_208 = arith.muli %sub3A_206, %mul3A_207 : i32
          %add3A_209 = arith.addi %mul3A_2, %mul3A_208 : i32
          %dma_wait3A_210 = arith.constant 0 : i32
          %dma_wait3A_211 = tpu.memref_slice %arg4[%add3A_209, %dma_wait3A_210] : memref<589824x128xf32, #tpu.memory_space<hbm>> -> memref<128x128xf32, #tpu.memory_space<hbm>>
          %dma_wait3A_212 = arith.constant 0 : i32
          %dma_wait3A_213 = tpu.memref_slice %arg4[%add3A_209, %dma_wait3A_212] : memref<589824x128xf32, #tpu.memory_space<hbm>> -> memref<128x128xf32, #tpu.memory_space<hbm>>
          tpu.wait_dma2 semaphore(%arg18 : memref<!tpu.dma_semaphore, #tpu.memory_space<semaphore_mem>>) src(%arg6 : memref<128x128xf32, #tpu.memory_space<vmem>>) dst(%dma_wait3A_213 : memref<128x128xf32, #tpu.memory_space<hbm>>)
        } else {
        }
        %dma_start3A_200 = arith.constant 0 : i32
        %dma_start3A_201 = tpu.memref_slice %arg5[%add3A_146, %dma_start3A_200] : memref<144x128xi32, #tpu.memory_space<vmem>> -> memref<1x128xi32, #tpu.memory_space<vmem>>
        %dma_start3A_202 = tpu.memref_squeeze %dma_start3A_201 : memref<1x128xi32, #tpu.memory_space<vmem>> -> memref<128xi32, #tpu.memory_space<vmem>>
        %dma_start3A_203 = arith.constant 0 : i32
        %dma_start3A_204 = arith.constant 0 : i32
        %dma_start3A_205 = tpu.memref_slice %arg2[%dma_start3A_203, %dma_start3A_204] : memref<589824x128xf32, #tpu.memory_space<hbm>> -> memref<589824x128xf32, #tpu.memory_space<hbm>>
        tpu.enqueue_indirect_dma source(%dma_start3A_205 : memref<589824x128xf32, #tpu.memory_space<hbm>>) target(%arg6 : memref<128x128xf32, #tpu.memory_space<vmem>>) offsets(%dma_start3A_202 : memref<128xi32, #tpu.memory_space<vmem>>) semaphore(%arg12 : memref<!tpu.dma_semaphore, #tpu.memory_space<semaphore_mem>>)
      } else {
      }
      %add3A_152 = arith.constant 4 : i32
      %add3A_153 = arith.addi %add3A_66, %add3A_152 : i32
      %dma_wait3A_154 = arith.constant 0 : i32
      %dma_wait3A_155 = tpu.memref_slice %arg5[%add3A_153, %dma_wait3A_154] : memref<144x128xi32, #tpu.memory_space<vmem>> -> memref<1x128xi32, #tpu.memory_space<vmem>>
      %dma_wait3A_156 = tpu.memref_squeeze %dma_wait3A_155 : memref<1x128xi32, #tpu.memory_space<vmem>> -> memref<128xi32, #tpu.memory_space<vmem>>
      %dma_wait3A_157 = arith.constant 0 : i32
      %dma_wait3A_158 = arith.constant 0 : i32
      %dma_wait3A_159 = tpu.memref_slice %arg2[%dma_wait3A_157, %dma_wait3A_158] : memref<589824x128xf32, #tpu.memory_space<hbm>> -> memref<589824x128xf32, #tpu.memory_space<hbm>>
      tpu.wait_indirect_dma semaphore(%arg16 : memref<!tpu.dma_semaphore, #tpu.memory_space<semaphore_mem>>) src(%dma_wait3A_159 : memref<589824x128xf32, #tpu.memory_space<hbm>>) dst(%arg10 : memref<128x128xf32, #tpu.memory_space<vmem>>)
      %mul3A_160 = arith.constant 128 : i32
      %mul3A_161 = arith.muli %add3A_153, %mul3A_160 : i32
      %add3A_162 = arith.addi %mul3A_2, %mul3A_161 : i32
      %dma_start3A_163 = arith.constant 0 : i32
      %dma_start3A_164 = tpu.memref_slice %arg4[%add3A_162, %dma_start3A_163] : memref<589824x128xf32, #tpu.memory_space<hbm>> -> memref<128x128xf32, #tpu.memory_space<hbm>>
      %dma_start3A_165 = arith.constant 0 : i32
      %dma_start3A_166 = tpu.memref_slice %arg4[%add3A_162, %dma_start3A_165] : memref<589824x128xf32, #tpu.memory_space<hbm>> -> memref<128x128xf32, #tpu.memory_space<hbm>>
      tpu.enqueue_dma source(%arg10 : memref<128x128xf32, #tpu.memory_space<vmem>>) target(%dma_start3A_166 : memref<128x128xf32, #tpu.memory_space<hbm>>) target_semaphore(%arg22 : memref<!tpu.dma_semaphore, #tpu.memory_space<semaphore_mem>>)
      %add3A_167 = arith.constant 3 : i32
      %add3A_168 = arith.addi %add3A_153, %add3A_167 : i32
      %lt3A_169 = arith.constant 144 : i32
      %lt3A_170 = arith.cmpi slt, %add3A_168, %lt3A_169 : i32
      %convert_element_type3A_171 = arith.extui %lt3A_170 : i1 to i32
      %cond3A_172 = arith.constant 0 : i32
      %cond3A_173 = arith.cmpi ne, %convert_element_type3A_171, %cond3A_172 : i32
      scf.if %cond3A_173 {
        %ge3A = arith.constant 6 : i32
        %ge3A_196 = arith.cmpi sge, %add3A_168, %ge3A : i32
        %convert_element_type3A_197 = arith.extui %ge3A_196 : i1 to i32
        %cond3A_198 = arith.constant 0 : i32
        %cond3A_199 = arith.cmpi ne, %convert_element_type3A_197, %cond3A_198 : i32
        scf.if %cond3A_199 {
          %sub3A = arith.constant 6 : i32
          %sub3A_206 = arith.subi %add3A_168, %sub3A : i32
          %mul3A_207 = arith.constant 128 : i32
          %mul3A_208 = arith.muli %sub3A_206, %mul3A_207 : i32
          %add3A_209 = arith.addi %mul3A_2, %mul3A_208 : i32
          %dma_wait3A_210 = arith.constant 0 : i32
          %dma_wait3A_211 = tpu.memref_slice %arg4[%add3A_209, %dma_wait3A_210] : memref<589824x128xf32, #tpu.memory_space<hbm>> -> memref<128x128xf32, #tpu.memory_space<hbm>>
          %dma_wait3A_212 = arith.constant 0 : i32
          %dma_wait3A_213 = tpu.memref_slice %arg4[%add3A_209, %dma_wait3A_212] : memref<589824x128xf32, #tpu.memory_space<hbm>> -> memref<128x128xf32, #tpu.memory_space<hbm>>
          tpu.wait_dma2 semaphore(%arg19 : memref<!tpu.dma_semaphore, #tpu.memory_space<semaphore_mem>>) src(%arg7 : memref<128x128xf32, #tpu.memory_space<vmem>>) dst(%dma_wait3A_213 : memref<128x128xf32, #tpu.memory_space<hbm>>)
        } else {
        }
        %dma_start3A_200 = arith.constant 0 : i32
        %dma_start3A_201 = tpu.memref_slice %arg5[%add3A_168, %dma_start3A_200] : memref<144x128xi32, #tpu.memory_space<vmem>> -> memref<1x128xi32, #tpu.memory_space<vmem>>
        %dma_start3A_202 = tpu.memref_squeeze %dma_start3A_201 : memref<1x128xi32, #tpu.memory_space<vmem>> -> memref<128xi32, #tpu.memory_space<vmem>>
        %dma_start3A_203 = arith.constant 0 : i32
        %dma_start3A_204 = arith.constant 0 : i32
        %dma_start3A_205 = tpu.memref_slice %arg2[%dma_start3A_203, %dma_start3A_204] : memref<589824x128xf32, #tpu.memory_space<hbm>> -> memref<589824x128xf32, #tpu.memory_space<hbm>>
        tpu.enqueue_indirect_dma source(%dma_start3A_205 : memref<589824x128xf32, #tpu.memory_space<hbm>>) target(%arg7 : memref<128x128xf32, #tpu.memory_space<vmem>>) offsets(%dma_start3A_202 : memref<128xi32, #tpu.memory_space<vmem>>) semaphore(%arg13 : memref<!tpu.dma_semaphore, #tpu.memory_space<semaphore_mem>>)
      } else {
      }
      %add3A_174 = arith.constant 5 : i32
      %add3A_175 = arith.addi %add3A_66, %add3A_174 : i32
      %dma_wait3A_176 = arith.constant 0 : i32
      %dma_wait3A_177 = tpu.memref_slice %arg5[%add3A_175, %dma_wait3A_176] : memref<144x128xi32, #tpu.memory_space<vmem>> -> memref<1x128xi32, #tpu.memory_space<vmem>>
      %dma_wait3A_178 = tpu.memref_squeeze %dma_wait3A_177 : memref<1x128xi32, #tpu.memory_space<vmem>> -> memref<128xi32, #tpu.memory_space<vmem>>
      %dma_wait3A_179 = arith.constant 0 : i32
      %dma_wait3A_180 = arith.constant 0 : i32
      %dma_wait3A_181 = tpu.memref_slice %arg2[%dma_wait3A_179, %dma_wait3A_180] : memref<589824x128xf32, #tpu.memory_space<hbm>> -> memref<589824x128xf32, #tpu.memory_space<hbm>>
      tpu.wait_indirect_dma semaphore(%arg17 : memref<!tpu.dma_semaphore, #tpu.memory_space<semaphore_mem>>) src(%dma_wait3A_181 : memref<589824x128xf32, #tpu.memory_space<hbm>>) dst(%arg11 : memref<128x128xf32, #tpu.memory_space<vmem>>)
      %mul3A_182 = arith.constant 128 : i32
      %mul3A_183 = arith.muli %add3A_175, %mul3A_182 : i32
      %add3A_184 = arith.addi %mul3A_2, %mul3A_183 : i32
      %dma_start3A_185 = arith.constant 0 : i32
      %dma_start3A_186 = tpu.memref_slice %arg4[%add3A_184, %dma_start3A_185] : memref<589824x128xf32, #tpu.memory_space<hbm>> -> memref<128x128xf32, #tpu.memory_space<hbm>>
      %dma_start3A_187 = arith.constant 0 : i32
      %dma_start3A_188 = tpu.memref_slice %arg4[%add3A_184, %dma_start3A_187] : memref<589824x128xf32, #tpu.memory_space<hbm>> -> memref<128x128xf32, #tpu.memory_space<hbm>>
      tpu.enqueue_dma source(%arg11 : memref<128x128xf32, #tpu.memory_space<vmem>>) target(%dma_start3A_188 : memref<128x128xf32, #tpu.memory_space<hbm>>) target_semaphore(%arg23 : memref<!tpu.dma_semaphore, #tpu.memory_space<semaphore_mem>>)
      %add3A_189 = arith.constant 3 : i32
      %add3A_190 = arith.addi %add3A_175, %add3A_189 : i32
      %lt3A_191 = arith.constant 144 : i32
      %lt3A_192 = arith.cmpi slt, %add3A_190, %lt3A_191 : i32
      %convert_element_type3A_193 = arith.extui %lt3A_192 : i1 to i32
      %cond3A_194 = arith.constant 0 : i32
      %cond3A_195 = arith.cmpi ne, %convert_element_type3A_193, %cond3A_194 : i32
      scf.if %cond3A_195 {
        %ge3A = arith.constant 6 : i32
        %ge3A_196 = arith.cmpi sge, %add3A_190, %ge3A : i32
        %convert_element_type3A_197 = arith.extui %ge3A_196 : i1 to i32
        %cond3A_198 = arith.constant 0 : i32
        %cond3A_199 = arith.cmpi ne, %convert_element_type3A_197, %cond3A_198 : i32
        scf.if %cond3A_199 {
          %sub3A = arith.constant 6 : i32
          %sub3A_206 = arith.subi %add3A_190, %sub3A : i32
          %mul3A_207 = arith.constant 128 : i32
          %mul3A_208 = arith.muli %sub3A_206, %mul3A_207 : i32
          %add3A_209 = arith.addi %mul3A_2, %mul3A_208 : i32
          %dma_wait3A_210 = arith.constant 0 : i32
          %dma_wait3A_211 = tpu.memref_slice %arg4[%add3A_209, %dma_wait3A_210] : memref<589824x128xf32, #tpu.memory_space<hbm>> -> memref<128x128xf32, #tpu.memory_space<hbm>>
          %dma_wait3A_212 = arith.constant 0 : i32
          %dma_wait3A_213 = tpu.memref_slice %arg4[%add3A_209, %dma_wait3A_212] : memref<589824x128xf32, #tpu.memory_space<hbm>> -> memref<128x128xf32, #tpu.memory_space<hbm>>
          tpu.wait_dma2 semaphore(%arg20 : memref<!tpu.dma_semaphore, #tpu.memory_space<semaphore_mem>>) src(%arg8 : memref<128x128xf32, #tpu.memory_space<vmem>>) dst(%dma_wait3A_213 : memref<128x128xf32, #tpu.memory_space<hbm>>)
        } else {
        }
        %dma_start3A_200 = arith.constant 0 : i32
        %dma_start3A_201 = tpu.memref_slice %arg5[%add3A_190, %dma_start3A_200] : memref<144x128xi32, #tpu.memory_space<vmem>> -> memref<1x128xi32, #tpu.memory_space<vmem>>
        %dma_start3A_202 = tpu.memref_squeeze %dma_start3A_201 : memref<1x128xi32, #tpu.memory_space<vmem>> -> memref<128xi32, #tpu.memory_space<vmem>>
        %dma_start3A_203 = arith.constant 0 : i32
        %dma_start3A_204 = arith.constant 0 : i32
        %dma_start3A_205 = tpu.memref_slice %arg2[%dma_start3A_203, %dma_start3A_204] : memref<589824x128xf32, #tpu.memory_space<hbm>> -> memref<589824x128xf32, #tpu.memory_space<hbm>>
        tpu.enqueue_indirect_dma source(%dma_start3A_205 : memref<589824x128xf32, #tpu.memory_space<hbm>>) target(%arg8 : memref<128x128xf32, #tpu.memory_space<vmem>>) offsets(%dma_start3A_202 : memref<128xi32, #tpu.memory_space<vmem>>) semaphore(%arg14 : memref<!tpu.dma_semaphore, #tpu.memory_space<semaphore_mem>>)
      } else {
      }
    }
    %scan3A_26 = arith.constant 24 : i32
    %add3A_27 = arith.constant 17664 : i32
    %add3A_28 = arith.addi %mul3A_2, %add3A_27 : i32
    %dma_wait3A = arith.constant 0 : i32
    %dma_wait3A_29 = tpu.memref_slice %arg4[%add3A_28, %dma_wait3A] : memref<589824x128xf32, #tpu.memory_space<hbm>> -> memref<128x128xf32, #tpu.memory_space<hbm>>
    %dma_wait3A_30 = arith.constant 0 : i32
    %dma_wait3A_31 = tpu.memref_slice %arg4[%add3A_28, %dma_wait3A_30] : memref<589824x128xf32, #tpu.memory_space<hbm>> -> memref<128x128xf32, #tpu.memory_space<hbm>>
    tpu.wait_dma2 semaphore(%arg18 : memref<!tpu.dma_semaphore, #tpu.memory_space<semaphore_mem>>) src(%arg6 : memref<128x128xf32, #tpu.memory_space<vmem>>) dst(%dma_wait3A_31 : memref<128x128xf32, #tpu.memory_space<hbm>>)
    %add3A_32 = arith.constant 17792 : i32
    %add3A_33 = arith.addi %mul3A_2, %add3A_32 : i32
    %dma_wait3A_34 = arith.constant 0 : i32
    %dma_wait3A_35 = tpu.memref_slice %arg4[%add3A_33, %dma_wait3A_34] : memref<589824x128xf32, #tpu.memory_space<hbm>> -> memref<128x128xf32, #tpu.memory_space<hbm>>
    %dma_wait3A_36 = arith.constant 0 : i32
    %dma_wait3A_37 = tpu.memref_slice %arg4[%add3A_33, %dma_wait3A_36] : memref<589824x128xf32, #tpu.memory_space<hbm>> -> memref<128x128xf32, #tpu.memory_space<hbm>>
    tpu.wait_dma2 semaphore(%arg19 : memref<!tpu.dma_semaphore, #tpu.memory_space<semaphore_mem>>) src(%arg7 : memref<128x128xf32, #tpu.memory_space<vmem>>) dst(%dma_wait3A_37 : memref<128x128xf32, #tpu.memory_space<hbm>>)
    %add3A_38 = arith.constant 17920 : i32
    %add3A_39 = arith.addi %mul3A_2, %add3A_38 : i32
    %dma_wait3A_40 = arith.constant 0 : i32
    %dma_wait3A_41 = tpu.memref_slice %arg4[%add3A_39, %dma_wait3A_40] : memref<589824x128xf32, #tpu.memory_space<hbm>> -> memref<128x128xf32, #tpu.memory_space<hbm>>
    %dma_wait3A_42 = arith.constant 0 : i32
    %dma_wait3A_43 = tpu.memref_slice %arg4[%add3A_39, %dma_wait3A_42] : memref<589824x128xf32, #tpu.memory_space<hbm>> -> memref<128x128xf32, #tpu.memory_space<hbm>>
    tpu.wait_dma2 semaphore(%arg20 : memref<!tpu.dma_semaphore, #tpu.memory_space<semaphore_mem>>) src(%arg8 : memref<128x128xf32, #tpu.memory_space<vmem>>) dst(%dma_wait3A_43 : memref<128x128xf32, #tpu.memory_space<hbm>>)
    %add3A_44 = arith.constant 18048 : i32
    %add3A_45 = arith.addi %mul3A_2, %add3A_44 : i32
    %dma_wait3A_46 = arith.constant 0 : i32
    %dma_wait3A_47 = tpu.memref_slice %arg4[%add3A_45, %dma_wait3A_46] : memref<589824x128xf32, #tpu.memory_space<hbm>> -> memref<128x128xf32, #tpu.memory_space<hbm>>
    %dma_wait3A_48 = arith.constant 0 : i32
    %dma_wait3A_49 = tpu.memref_slice %arg4[%add3A_45, %dma_wait3A_48] : memref<589824x128xf32, #tpu.memory_space<hbm>> -> memref<128x128xf32, #tpu.memory_space<hbm>>
    tpu.wait_dma2 semaphore(%arg21 : memref<!tpu.dma_semaphore, #tpu.memory_space<semaphore_mem>>) src(%arg9 : memref<128x128xf32, #tpu.memory_space<vmem>>) dst(%dma_wait3A_49 : memref<128x128xf32, #tpu.memory_space<hbm>>)
    %add3A_50 = arith.constant 18176 : i32
    %add3A_51 = arith.addi %mul3A_2, %add3A_50 : i32
    %dma_wait3A_52 = arith.constant 0 : i32
    %dma_wait3A_53 = tpu.memref_slice %arg4[%add3A_51, %dma_wait3A_52] : memref<589824x128xf32, #tpu.memory_space<hbm>> -> memref<128x128xf32, #tpu.memory_space<hbm>>
    %dma_wait3A_54 = arith.constant 0 : i32
    %dma_wait3A_55 = tpu.memref_slice %arg4[%add3A_51, %dma_wait3A_54] : memref<589824x128xf32, #tpu.memory_space<hbm>> -> memref<128x128xf32, #tpu.memory_space<hbm>>
    tpu.wait_dma2 semaphore(%arg22 : memref<!tpu.dma_semaphore, #tpu.memory_space<semaphore_mem>>) src(%arg10 : memref<128x128xf32, #tpu.memory_space<vmem>>) dst(%dma_wait3A_55 : memref<128x128xf32, #tpu.memory_space<hbm>>)
    %add3A_56 = arith.constant 18304 : i32
    %add3A_57 = arith.addi %mul3A_2, %add3A_56 : i32
    %dma_wait3A_58 = arith.constant 0 : i32
    %dma_wait3A_59 = tpu.memref_slice %arg4[%add3A_57, %dma_wait3A_58] : memref<589824x128xf32, #tpu.memory_space<hbm>> -> memref<128x128xf32, #tpu.memory_space<hbm>>
    %dma_wait3A_60 = arith.constant 0 : i32
    %dma_wait3A_61 = tpu.memref_slice %arg4[%add3A_57, %dma_wait3A_60] : memref<589824x128xf32, #tpu.memory_space<hbm>> -> memref<128x128xf32, #tpu.memory_space<hbm>>
    tpu.wait_dma2 semaphore(%arg23 : memref<!tpu.dma_semaphore, #tpu.memory_space<semaphore_mem>>) src(%arg11 : memref<128x128xf32, #tpu.memory_space<vmem>>) dst(%dma_wait3A_61 : memref<128x128xf32, #tpu.memory_space<hbm>>)
    return
  }
}

</mosaic_0001>

<sc_bundles>
// kernel: kernel.3.cloned.1.call-start
scs
__scs_entry_jumppad:
0x0: {  	(pc) =	sbr.rel $0x88, $3  }
0x1: {  	(tag) =	ssettag $0x0;
	lr =	simm.s32 $0x1  }
0x2: {  	[smem:$0x3FA0] =	sst lr;
	_ =	strace $0xD0000000  }
0x3: {  	_ = 	snop  }
0x4: {  	_ = 	snop  }
0x5: {  	_ = 	snop  }
0x6: {  	_ = 	snop  }
0x7: {  	_ = 	snop  }
__scs_overlays_trampoline_lowered:
0x8: {  	[smem:$0x3FAF] =	sst s0  }
0x9: {  	[smem:$0x3FB0] =	sst s1  }
0xa: {  	[smem:$0x3FB1] =	sst s2  }
0xb: {  	[smem:$0x3FB2] =	sst s3  }
0xc: {  	[smem:$0x3FB3] =	sst s4  }
0xd: {  	[smem:$0x3FB4] =	sst s5  }
0xe: {  	[smem:$0x3FB5] =	sst s6  }
0xf: {  	[smem:$0x3FB6] =	sst s7  }
0x10: {  	[smem:$0x3FB7] =	sst s8  }
0x11: {  	[smem:$0x3FB8] =	sst s9;
	s0 =	simm.s32 @!p0 $0x0  }
0x12: {  	s1 =	sld [smem:$0x3F9E];
	s0 =	simm.s32 @p0 $0x1  }
0x13: {  	[smem:$0x3FB9] =	sst s0;
	s0 =	simm.s32 @!p1 $0x0  }
0x14: {  	s2 =	sld [smem:$0x3F9D];
	s0 =	simm.s32 @p1 $0x1  }
0x15: {  	[smem:$0x3FBA] =	sst s0;
	s0 =	simm.s32 @!p2 $0x0  }
0x16: {  	s3 =	sld [smem:$0x3FDB];
	s0 =	simm.s32 @p2 $0x1  }
0x17: {  	s4 =	simm.s32 $0x1BF5;
	[smem:$0x3FBC] =	sst s0  }
0x18: {  	s0 =	sld [smem:$0x3F9F];
	_ =	swait.ge [sflag:s4], $0x0  }
0x19: {  	s7 =	sld [smem:$0x3FA0]  }
0x1a: {  	s8 =	sadd.s32 $0xFFFFE003, lr  }
0x1b: {  	s9 =	sadd.s32 $0xFFFFFEF7, lr;
	s5 =	simm.s32 $0xFFFFFFFF;
	p2 =	slt.u32 s8, $0xFFFFF086  }
0x1c: {  	p1 =	slt.u32 s9, $0xF7A;
	s5 =	simm.s32 @!p2 $0x0  }
0x1d: {  	s5 =	simm.s32 @p1 $0x1;
	p0 =	seq.s32 s7, s2  }
0x1e: {  	s7 =	smul.u32 @!p0 $0xF7A, s2;
	p2 =	seq.s32 @!p0 s5, $0x0  }
0x1f: {  	s9 =	smul.u32 $0xF7A, s1;
	s8 =	simm.s32 @!p0 $0x1BF5;
	p2 =	por !p2, p0  }
0x20: {  	[sflag:s8] =	ssyncset.s32 @!p0 $0xFFFFF086;
	s6 =	sadd.s32 @!p0 s3, s7;
	s7 =	simm.s32 @!p0 $0x108  }
0x21: {  	s3 =	sadd.s32 s3, s9;
	s6 =	sadd.s32 @!p0 $0x88, s6;
	s7 =	simm.s32 @p2 $0x1082  }
0x22: {  	[simem:s7], [sflag:s8] =	dma.local @!p0 [hbm:s6], $0xF7A  }
0x23: {  	s9 =	sor.u32 $0xD0000000, s2;
	s6 =	simm.s32 $0x108;
	_ =	swait.ge @!p0 [sflag:s8], $0x0  }
0x24: {  	s3 =	sadd.s32 $0x88, s3;
	s6 =	simm.s32 @!p1 $0x1082;
	[sflag:s4] =	ssyncset.s32 $0xFFFFF086  }
0x25: {  	[simem:s6], [sflag:s4] =	dma.local [hbm:s3], $0xF7A  }
0x26: {  	[smem:$0x3FA0] =	sst s1;
	(tag) =	ssettag s2;
	_ =	strace s9  }
0x27: {  	s1 =	sld [smem:$0x3FB0]  }
0x28: {  	s2 =	sld [smem:$0x3FB1]  }
0x29: {  	s4 =	sld [smem:$0x3FB3]  }
0x2a: {  	p0 =	seq.s32 s5, $0x0;
	s5 =	sld [smem:$0x3FB4]  }
0x2b: {  	s6 =	sld [smem:$0x3FB5]  }
0x2c: {  	s7 =	sld [smem:$0x3FB6]  }
0x2d: {  	s3 =	simm.s32 $0x108;
	s8 =	sld [smem:$0x3FB7]  }
0x2e: {  	s3 =	simm.s32 @!p0 $0x1082;
	s9 =	sld [smem:$0x3FB8]  }
0x2f: {  	lr =	sadd.s32 s0, s3;
	s0 =	sld [smem:$0x3FAF]  }
0x30: {  	s3 =	sld [smem:$0x3FB2]  }
0x31: {  	[smem:$0x3FBB] =	sst s10  }
0x32: {  	s10 =	sld [smem:$0x3FB9];
	_ =	sdelay $0x3  }
0x33: {  	p0 =	seq.s32 s10, $0x1;
	s10 =	sld [smem:$0x3FBB];
	_ =	sdelay $0x3  }
0x34: {  	[smem:$0x3FBB] =	sst s10  }
0x35: {  	s10 =	sld [smem:$0x3FBA];
	_ =	sdelay $0x3  }
0x36: {  	p1 =	seq.s32 s10, $0x1;
	s10 =	sld [smem:$0x3FBB];
	_ =	sdelay $0x3  }
0x37: {  	[smem:$0x3FBB] =	sst s10  }
0x38: {  	s10 =	sld [smem:$0x3FBC]  }
0x39: {  	_ = 	snop;
	(pc) =	sbr.ind lr, $3  }
0x3a: {  	_ = 	snop  }
0x3b: {  	_ = 	snop  }
0x3c: {  	p2 =	seq.s32 s10, $0x1;
	s10 =	sld [smem:$0x3FBB]  }
0x3d: {  	_ =	shalt  }
0x3e: {  	_ =	shalt  }
0x3f: {  	_ =	shalt  }
0x40: {  	_ =	shalt  }
0x41: {  	_ =	shalt  }
0x42: {  	_ =	shalt  }
0x43: {  	_ =	shalt  }
0x44: {  	_ =	shalt  }
0x45: {  	_ =	shalt  }
0x46: {  	_ =	shalt  }
0x47: {  	_ =	shalt  }
0x48: {  	_ =	shalt  }
0x49: {  	_ =	shalt  }
0x4a: {  	_ =	shalt  }
0x4b: {  	_ =	shalt  }
0x4c: {  	_ =	shalt  }
0x4d: {  	_ =	shalt  }
0x4e: {  	_ =	shalt  }
0x4f: {  	_ =	shalt  }
0x50: {  	_ =	shalt  }
0x51: {  	_ =	shalt  }
0x52: {  	_ =	shalt  }
0x53: {  	_ =	shalt  }
0x54: {  	_ =	shalt  }
0x55: {  	_ =	shalt  }
0x56: {  	_ =	shalt  }
0x57: {  	_ =	shalt  }
0x58: {  	_ =	shalt  }
0x59: {  	_ =	shalt  }
0x5a: {  	_ =	shalt  }
0x5b: {  	_ =	shalt  }
0x5c: {  	_ =	shalt  }
0x5d: {  	_ =	shalt  }
0x5e: {  	_ =	shalt  }
0x5f: {  	_ =	shalt  }
0x60: {  	_ =	shalt  }
0x61: {  	_ =	shalt  }
0x62: {  	_ =	shalt  }
0x63: {  	_ =	shalt  }
0x64: {  	_ =	shalt  }
0x65: {  	_ =	shalt  }
0x66: {  	_ =	shalt  }
0x67: {  	_ =	shalt  }
0x68: {  	_ =	shalt  }
0x69: {  	_ =	shalt  }
0x6a: {  	_ =	shalt  }
0x6b: {  	_ =	shalt  }
0x6c: {  	_ =	shalt  }
0x6d: {  	_ =	shalt  }
0x6e: {  	_ =	shalt  }
0x6f: {  	_ =	shalt  }
0x70: {  	_ =	shalt  }
0x71: {  	_ =	shalt  }
0x72: {  	_ =	shalt  }
0x73: {  	_ =	shalt  }
0x74: {  	_ =	shalt  }
0x75: {  	_ =	shalt  }
0x76: {  	_ =	shalt  }
0x77: {  	_ =	shalt  }
0x78: {  	_ =	shalt  }
0x79: {  	_ =	shalt  }
0x7a: {  	_ =	shalt  }
0x7b: {  	_ =	shalt  }
0x7c: {  	_ =	shalt  }
0x7d: {  	_ =	shalt  }
0x7e: {  	_ =	shalt  }
0x7f: {  	_ =	shalt  }
0x80: {  	_ =	shalt  }
0x81: {  	_ =	shalt  }
0x82: {  	_ =	shalt  }
0x83: {  	_ =	shalt  }
0x84: {  	_ =	shalt  }
0x85: {  	_ =	shalt  }
0x86: {  	_ =	shalt  }
0x87: {  	_ =	shalt  }
.Lfunc_end0:
.L_simem_size_0:
called_computation.2_lowered:
.L_overlay_start_0:
0x88: {  	s2 =	sld [smem:$0x3FD9]  }
0x89: {  	s3 =	sld [smem:$0x3FFE];
	_ =	sdelay $0x1  }
0x8a: {  	s1 =	srdreg.scid  }
0x8b: {  	s0 =	sand.u32 $0x1, s1  }
0x8c: {  	s17 =	sshll.u32 s0, $0xA;
	s2 =	sadd.s32 s3, s2  }
0x8d: {  	s2 =	sadd.s32 s2, s17  }
0x8e: {  	[smem:$0x3FC7] =	sst s2  }
0x8f: {  	_ = 	snop  }
0x90: {  	s2 =	sld [smem:$0x3FD0];
	(tm) =	ssettm $0x1  }
0x91: {  	s18 =	sld [smem:$0x3FFB];
	_ =	sdelay $0x3  }
0x92: {  	_ =	strace s18  }
0x93: {  	s3 =	sld [smem:$0x3FFC];
	_ =	sdelay $0x3  }
0x94: {  	_ =	strace s3  }
0x95: {  	s3 =	sld [smem:$0x3FFD];
	_ =	sdelay $0x3  }
0x96: {  	_ =	strace s3  }
0x97: {  	_ =	strace $0x8FFFFFFF  }
0x98: {  	s19 =	sld [smem:$0x3FDB];
	_ =	sdelay $0x1  }
0x99: {  	s4 =	simm.s32 $_scs_section_size  }
0x9a: {  	s5 =	simm.s32 $_size__tile_overlayer_lowered;
	s6 =	simm.s32 $_tile_overlayer_lowered  }
0x9b: {  	s22 =	simm.s32 $0x1BFF;
	s21 =	sshll.u32 s6, $0x1;
	s3 =	sadd.s32 s4, s19  }
0x9c: {  	s7 =	simm.s32 $0x0;
	s20 =	sshll.u32 s5, $0x1;
	s5 =	sadd.s32 s21, s3  }
0x9d: {  	[timem:s7], [sflag:s22] =	dma.local [hbm:s5], s20  }
0x9e: {  	_ =	swait.ge [sflag:s22], s20  }
0x9f: {  	s4 =	ssub.s32 $0x0, s20;
	[sflag:s22] =	ssyncset.done $0x0  }
0xa0: {  	[sflag:s22] =	ssyncadd.s32 s4;
	_ =	sdelay $0x1  }
0xa1: {  	s23 =	simm.s32 $0x1B8B  }
0xa2: {  	_ =	swait.ge [sflag:s23], $0x1  }
0xa3: {  	[sflag:s23] =	ssyncset.done $0x0  }
0xa4: {  	s25 =	simm.s32 $0x1B8E;
	s24 =	sld [smem:$0x3FFE];
	[sflag:s23] =	ssyncadd.s32 $0xFFFFFFFF  }
0xa5: {  	s26 =	simm.s32 $execute0_lowered;
	[smem:$0x3FD2] =	sst s25  }
0xa6: {  	s5 =	sshll.u32 s26, $0x1;
	_ =	strace $0x80000049;
	[dreg:$0x1] =	wrdreg $0xFFFFFFFF  }
0xa7: {  	s28 =	simm.s32 $_size_execute0_lowered;
	s3 =	sadd.s32 s3, s5;
	[dreg:$0x0] =	wrdreg $0x0  }
0xa8: {  	s5 =	sshll.u32 s28, $0x1;
	[dreg:$0x2] =	wrdreg s3  }
0xa9: {  	[dreg:$0x3] =	wrdreg s5  }
0xaa: {  	[dreg:$0x4] =	wrdreg $0xC0  }
0xab: {  	_ =	task [dreg:s7], $0x5FFFF  }
0xac: {  	[dreg:$0x1] =	wrdreg $0xFFFFFFFF  }
0xad: {  	[dreg:$0x0] =	wrdreg $0x60  }
0xae: {  	[dreg:$0x2] =	wrdreg s24  }
0xaf: {  	[dreg:$0x3] =	wrdreg s2  }
0xb0: {  	[dreg:$0x4] =	wrdreg $0x9  }
0xb1: {  	_ =	task.clear_ibuf [dreg:s7], $0x5FFFF;
	_ =	strace $0x90000049  }
0xb2: {  	s29 =	simm.s32 $0x9;
	_ =	strace $0x8000004B  }
0xb3: {  	_ =	swait.ge [sflag:s29], $0x1  }
0xb4: {  	[sflag:s29] =	ssyncadd.s32 $0xFFFFFFFF  }
0xb5: {  	_ =	strace $0x9000004B  }
0xb6: {  	_ =	sfence  }
0xb7: {  	s30 =	sld [smem:$0x0];
	_ =	sdelay $0x2  }
0xb8: {  	s31 =	sshll.u32 s1, $0xD;
	s1 =	sshrl.u32 s1, $0x2  }
0xb9: {  	s3 =	sand.u32 $0x4000, s31;
	s1 =	sadd.s32 s1, s30  }
0xba: {  	s0 =	sor.u32 s3, s0;
	s1 =	sshll.u32 s1, $0x11  }
0xbb: {  	s0 =	sor.u32 s1, s0  }
0xbc: {  	s0 =	sadd.s32 $0x8F2B, s0  }
0xbd: {  	[sflag:s0] =	ssyncadd.remote.s32 $0x1  }
0xbe: {  	_ =	sfence.sel $0xFFFF  }
0xbf: {  	[dreg:$0x0] =	wrdreg $0xFFFFFFFF;
	(pc) =	sbr.abs _section_cstart, $3  }
0xc0: {  	[dreg:$0x1] =	wrdreg $0xFFFFFFFF  }
0xc1: {  	_ =	task.clear_ibuf [dreg:s7], $0x2FFFF;
	_ =	strace $0x9FFFFFFF  }
0xc2: {  	(tm) =	ssettm $0x7FFFFFFF  }
0xc3: {  	_ =	shalt  }
tec
execute0_lowered:
.L_overlay_start_1:
0x0: {  	(tag) =	ssettag $0x1  }
0x1: {  	s0 =	rddreg [dreg:$0x0];
	s1 =	srdreg.scid  }
0x2: {  	s10 =	stileid.u32;
	s4 =	rddreg [dreg:$0x1];
	s2 =	simm.s32 $0x0  }
0x3: {  	s13 =	simm.s32 $0x80;
	s14 =	simm.s32 $0x4800;
	s7 =	smul.u32 $0x9000, s10  }
0x4: {  	s15 =	simm.s32 $0x8800;
	s17 =	simm.s32 $0xC800;
	s20 =	smul.u32 $0x90000, s10  }
0x5: {  	s18 =	simm.s32 $0x1;
	s1 =	sand.u32 $0x1, s1;
	s21 =	smul.u32 $0x480000, s10  }
0x6: {  	s19 =	simm.s32 $0x10800;
	s30 =	simm.s32 $0x9;
	s9 =	smul.u32 $0x4800, s1  }
0x7: {  	s3 =	sshll.u32 s10, $0x1;
	[smem:$0x7FF] =	sst s2;
	s23 =	smul.u32 $0x240000, s1  }
0x8: {  	s3 =	sor.u32 s1, s3;
	s6 =	ssub.s32 $0x2, s1;
	s1 =	smul.u32 $0x48000, s1  }
0x9: {  	s16 =	simm.s32 $0x0;
	_ =	strace $0x8000004A;
	s5 =	smul.u32 $0x4800, s3  }
0xa: {  	s3 =	sadd.s32 $0x900E00, s0;
	s8 =	sshrl.u32 s6, $0x1;
	s0 =	sadd.s32 $0xE00, s0  }
0xb: {  	s6 =	ssub.s32 s6, s8;
	s7 =	sadd.s32 s9, s7;
	s25 =	sadd.s32 s20, s0  }
0xc: {  	s20 =	simm.s32 $0x2;
	s5 =	sshrl.u32 s5, $0x3;
	s22 =	sshll.u32 s7, $0x4  }
0xd: {  	s6 =	smax.u32 s6, $0x1;
	s1 =	sadd.s32 s1, s25;
	s25 =	simm.s32 $0x5  }
0xe: {  	s4 =	sadd.s32 s4, s5;
	[dreg:$0x4] =	wrdreg s6;
	s5 =	sadd.s32 s23, s21  }
0xf: {  	[dreg:$0x7] =	wrdreg s1;
	s21 =	simm.s32 $0x14800;
	s23 =	simm.s32 $0x18800  }
0x10: {  	[dreg:$0x3] =	wrdreg s4;
	s4 =	sadd.s32 s22, s0;
	s26 =	sor.u32 $0x14000, s5  }
0x11: {  	s28 =	sor.u32 $0x10000, s5;
	s5 =	sor.u32 $0xC000, s5;
	s22 =	simm.s32 $0x3  }
0x12: {  	s24 =	sadd.s32 $0x1000, s4;
	s4 =	sadd.s32 $0x800, s4;
	s1 =	sshrl.u32 s26, $0x3  }
.Ltmp0:
0x13: {  	s29 =	sshrl.u32 s28, $0x3;
	[dreg:$0x5] =	wrdreg s24;
	(pc) =	sbr.rel .LBB2_1-.Ltmp0, $4  }
0x14: {  	s31 =	sshrl.u32 s5, $0x3;
	[dreg:$0x6] =	wrdreg s4;
	s1 =	sadd.s32 s1, s0  }
0x15: {  	s26 =	simm.s32 $0x6;
	[dreg:$0x8] =	wrdreg s1;
	s1 =	sadd.s32 s29, s0  }
0x16: {  	s24 =	simm.s32 $0x4;
	s0 =	sadd.s32 s31, s0;
	[dreg:$0x9] =	wrdreg s1  }
0x17: {  	[dreg:$0xa] =	wrdreg s0;
	s1 =	simm.s32 $0xB;
	s0 =	simm.s32 $0xC  }
.LBB2_4:
0x18: {  	s4 =	simm.s32 $0x7  }
0x19: {  	_ =	swait.ge [sflag:s4], $0x4000  }
0x1a: {  	[sflag:s4] =	ssyncset.done $0x0  }
0x1b: {  	s28 =	simm.s32 $0x8;
	[sflag:s4] =	ssyncadd.s32 $0xFFFFC000  }
0x1c: {  	_ =	swait.ge [sflag:s28], $0x4000  }
0x1d: {  	[sflag:s28] =	ssyncset.done $0x0  }
0x1e: {  	[sflag:s28] =	ssyncadd.s32 $0xFFFFC000  }
0x1f: {  	_ =	swait.ge [sflag:s30], $0x4000  }
0x20: {  	[sflag:s30] =	ssyncset.done $0x0  }
0x21: {  	s29 =	simm.s32 $0xA;
	[sflag:s30] =	ssyncadd.s32 $0xFFFFC000  }
0x22: {  	_ =	swait.ge [sflag:s29], $0x4000  }
0x23: {  	[sflag:s29] =	ssyncset.done $0x0  }
0x24: {  	[sflag:s29] =	ssyncadd.s32 $0xFFFFC000  }
0x25: {  	_ =	swait.ge [sflag:s1], $0x4000  }
0x26: {  	[sflag:s1] =	ssyncset.done $0x0  }
0x27: {  	[sflag:s1] =	ssyncadd.s32 $0xFFFFC000  }
0x28: {  	_ =	swait.ge [sflag:s0], $0x4000  }
0x29: {  	s16 =	sadd.s32 $0x1, s16;
	s31 =	rddreg [dreg:$0x4]  }
0x2a: {  	p0 =	sne.s32 s16, s31  }
.Ltmp1:
0x2b: {  	_ = 	snop;
	(pc) =	sbr.rel @!p0 .LBB2_5-.Ltmp1, $3  }
0x2c: {  	_ =	sdelay $0x1  }
0x2d: {  	[sflag:s0] =	ssyncset.done $0x0  }
0x2e: {  	[sflag:s0] =	ssyncadd.s32 $0xFFFFC000  }
.LBB2_1:
0x2f: {  	s4 =	rddreg [dreg:$0x3];
	s29 =	simm.s32 $0xD  }
0x30: {  	[tilespmem:s2], [sflag:$0xD] =	stream.linear.gather [hbm4b:s4+s2], $0x4800, $0x38;
	[tilespmem:$0x1C800] =	vst v63  }
0x31: {  	_ =	swait.ge [sflag:s29], $0x4800  }
0x32: {  	s11 =	rddreg [dreg:$0xa]  }
0x33: {  	s10 =	rddreg [dreg:$0x9]  }
0x34: {  	[sflag:s29] =	ssyncset.done $0x0;
	s9 =	rddreg [dreg:$0x8]  }
0x35: {  	s8 =	rddreg [dreg:$0x7];
	[sflag:s29] =	ssyncadd.s32 $0xFFFFB800  }
0x36: {  	[tilespmem:s14], [sflag:$0x1] =	stream.indirect.gather [hbm4b:s3+s13], $0x80, s2, s13, $0xb8;
	[tilespmem:$0x1C800] =	vst v63  }
0x37: {  	s7 =	rddreg [dreg:$0x6]  }
0x38: {  	[tilespmem:s15], [sflag:$0x2] =	stream.indirect.gather [hbm4b:s3+s13], $0x80, s13, s13, $0xb8;
	[tilespmem:$0x1C800] =	vst v63  }
0x39: {  	s31 =	simm.s32 $0x100;
	s5 =	simm.s32 $0x0;
	s6 =	rddreg [dreg:$0x5]  }
0x3a: {  	[tilespmem:s17], [sflag:$0x3] =	stream.indirect.gather [hbm4b:s3+s13], $0x80, s31, s13, $0xb8;
	[tilespmem:$0x1C800] =	vst v63  }
.LBB2_2:
0x3b: {  	_ =	swait.ge [sflag:s18], $0x4000  }
0x3c: {  	p0 =	seq.s32 s5, $0x0;
	[sflag:s18] =	ssyncset.done $0x0  }
0x3d: {  	s12 =	simm.s32 @!p0 $0xA;
	[sflag:s18] =	ssyncadd.s32 $0xFFFFC000  }
0x3e: {  	[hbm4b:s8+s2] =	stream.linear.scatter [tilespmem:s14], [sflag:$0x7], $0x4000, $0x38;
	[tilespmem:$0x1C800] =	vst v63  }
0x3f: {  	_ =	swait.ge @!p0 [sflag:s12], $0x4000  }
0x40: {  	s4 =	sshra.s32 s5, $0x2;
	[sflag:s12] =	ssyncset.done @!p0 $0x0  }
0x41: {  	s28 =	sadd.s32 $0x180, s4;
	[sflag:s12] =	ssyncadd.s32 @!p0 $0xFFFFC000  }
0x42: {  	[tilespmem:s19], [sflag:$0x4] =	stream.indirect.gather [hbm4b:s3+s13], $0x80, s28, s13, $0xb8;
	[tilespmem:$0x1C800] =	vst v63  }
0x43: {  	_ =	swait.ge [sflag:s20], $0x4000  }
0x44: {  	[sflag:s20] =	ssyncset.done $0x0  }
0x45: {  	s12 =	simm.s32 @!p0 $0xB;
	[sflag:s20] =	ssyncadd.s32 $0xFFFFC000  }
0x46: {  	[hbm4b:s7+s2] =	stream.linear.scatter [tilespmem:s15], [sflag:$0x8], $0x4000, $0x38;
	[tilespmem:$0x1C800] =	vst v63  }
0x47: {  	_ =	swait.ge @!p0 [sflag:s12], $0x4000  }
0x48: {  	[sflag:s12] =	ssyncset.done @!p0 $0x0  }
0x49: {  	s29 =	sadd.s32 $0x200, s4;
	[sflag:s12] =	ssyncadd.s32 @!p0 $0xFFFFC000  }
0x4a: {  	[tilespmem:s21], [sflag:$0x5] =	stream.indirect.gather [hbm4b:s3+s13], $0x80, s29, s13, $0xb8;
	[tilespmem:$0x1C800] =	vst v63  }
0x4b: {  	_ =	swait.ge [sflag:s22], $0x4000  }
0x4c: {  	[sflag:s22] =	ssyncset.done $0x0  }
0x4d: {  	s12 =	simm.s32 @!p0 $0xC;
	[sflag:s22] =	ssyncadd.s32 $0xFFFFC000  }
0x4e: {  	[hbm4b:s6+s2] =	stream.linear.scatter [tilespmem:s17], [sflag:$0x9], $0x4000, $0x38;
	[tilespmem:$0x1C800] =	vst v63  }
0x4f: {  	_ =	swait.ge @!p0 [sflag:s12], $0x4000  }
0x50: {  	[sflag:s12] =	ssyncset.done @!p0 $0x0  }
0x51: {  	s31 =	sadd.s32 $0x280, s4;
	[sflag:s12] =	ssyncadd.s32 @!p0 $0xFFFFC000  }
0x52: {  	[tilespmem:s23], [sflag:$0x6] =	stream.indirect.gather [hbm4b:s3+s13], $0x80, s31, s13, $0xb8;
	[tilespmem:$0x1C800] =	vst v63  }
0x53: {  	_ =	swait.ge [sflag:s24], $0x4000  }
0x54: {  	p0 =	seq.s32 s5, $0x11400;
	[sflag:s24] =	ssyncset.done $0x0  }
0x55: {  	s12 =	simm.s32 @!p0 $0x7;
	[sflag:s24] =	ssyncadd.s32 $0xFFFFC000  }
0x56: {  	[hbm4b:s11+s2] =	stream.linear.scatter [tilespmem:s19], [sflag:$0xA], $0x4000, $0x38;
	[tilespmem:$0x1C800] =	vst v63  }
0x57: {  	_ =	swait.ge @!p0 [sflag:s12], $0x4000  }
0x58: {  	[sflag:s12] =	ssyncset.done @!p0 $0x0  }
0x59: {  	[sflag:s12] =	ssyncadd.s32 @!p0 $0xFFFFC000;
	s12 =	sshra.s32 @!p0 s5, $0x2  }
0x5a: {  	s29 =	simm.s32 @!p0 $0x80;
	s31 =	simm.s32 @!p0 $0x4800;
	s28 =	sadd.s32 @!p0 $0x300, s12  }
0x5b: {  	[tilespmem:s31], [sflag:$0x1] =	stream.indirect.gather @!p0 [hbm4b:s3+s29], $0x80, s28, s29, $0xb8;
	[tilespmem:$0x1C800] =	vst v63  }
0x5c: {  	_ =	swait.ge [sflag:s25], $0x4000  }
0x5d: {  	[sflag:s25] =	ssyncset.done $0x0  }
0x5e: {  	s28 =	simm.s32 @!p0 $0x8;
	[sflag:s25] =	ssyncadd.s32 $0xFFFFC000  }
0x5f: {  	[hbm4b:s10+s2] =	stream.linear.scatter [tilespmem:s21], [sflag:$0xB], $0x4000, $0x38;
	[tilespmem:$0x1C800] =	vst v63  }
0x60: {  	_ =	swait.ge @!p0 [sflag:s28], $0x4000  }
0x61: {  	[sflag:s28] =	ssyncset.done @!p0 $0x0  }
0x62: {  	s12 =	sadd.s32 @!p0 $0x380, s12;
	[sflag:s28] =	ssyncadd.s32 @!p0 $0xFFFFC000;
	s28 =	simm.s32 @!p0 $0x8800  }
0x63: {  	[tilespmem:s28], [sflag:$0x2] =	stream.indirect.gather @!p0 [hbm4b:s3+s29], $0x80, s12, s29, $0xb8;
	[tilespmem:$0x1C800] =	vst v63  }
.Ltmp2:
0x64: {  	_ = 	snop;
	(pc) =	sbr.rel @p0 .LBB2_4-.Ltmp2, $4  }
0x65: {  	_ =	swait.ge [sflag:s26], $0x4000  }
0x66: {  	[sflag:s26] =	ssyncset.done $0x0  }
0x67: {  	[sflag:s26] =	ssyncadd.s32 $0xFFFFC000  }
0x68: {  	[hbm4b:s9+s2] =	stream.linear.scatter [tilespmem:s23], [sflag:$0xC], $0x4000, $0x38;
	[tilespmem:$0x1C800] =	vst v63  }
.Ltmp3:
0x69: {  	_ =	swait.ge [sflag:s30], $0x4000;
	s4 =	sadd.s32 $0x400, s4;
	(pc) =	sbr.rel .LBB2_2-.Ltmp3, $4  }
0x6a: {  	s5 =	sadd.s32 $0xC00, s5;
	s6 =	sadd.s32 $0x3000, s6;
	s7 =	sadd.s32 $0x3000, s7  }
0x6b: {  	s8 =	sadd.s32 $0x3000, s8;
	s9 =	sadd.s32 $0x3000, s9;
	[sflag:s30] =	ssyncset.done $0x0  }
0x6c: {  	s10 =	sadd.s32 $0x3000, s10;
	s11 =	sadd.s32 $0x3000, s11;
	[sflag:s30] =	ssyncadd.s32 $0xFFFFC000  }
0x6d: {  	[tilespmem:s17], [sflag:$0x3] =	stream.indirect.gather [hbm4b:s3+s13], $0x80, s4, s13, $0xb8;
	[tilespmem:$0x1C800] =	vst v63  }
.LBB2_5:
0x6e: {  	_ =	sfence.sel $0x180000  }
0x6f: {  	[bflag:$0x0] =	sbarrier.arrive $0xFFFF  }
0x70: {  	_ =	strace $0x9000004A  }
0x71: {  	s0 =	stileid.u32;
	[bflag:$0x2] =	sbarrier.arrive $0xFFFF  }
0x72: {  	p0 =	sne.s32 s0, $0x0;
	s0 =	rddreg [dreg:$0x2]  }
0x73: {  	s0 =	sadd.s32 @!p0 $0x100000, s0  }
0x74: {  	[sflag:s0] =	ssyncadd.tile.s32 @!p0 $0x1;
	_ =	shalt  }
.Lfunc_end2:
_tile_overlayer_lowered:
.L_overlay_start_2:
0x75: {  	(tag) =	ssettag $0x2  }
0x76: {  	s0 =	rddreg [dreg:$0x0];
	s2 =	stileid.u32  }
0x77: {  	s1 =	rddreg [dreg:$0x1];
	p0 =	sne.s32 s2, $0x0  }
0x78: {  	s3 =	rddreg [dreg:$0x2];
	[bflag:$0x3] =	sbarrier.arrive $0xFFFF;
	s2 =	simm.s32 @!p0 $0x1C0D  }
0x79: {  	[timem:s3], [sflag:s2] =	dma.local @!p0 [hbm:s0], s1  }
0x7a: {  	s0 =	simm.s32 @!p0 $0xD  }
0x7b: {  	_ =	swait.ge @!p0 [sflag:s0], s1  }
0x7c: {  	s1 =	ssub.s32 @!p0 $0x0, s1;
	[sflag:s0] =	ssyncset.done @!p0 $0x0  }
0x7d: {  	[sflag:s0] =	ssyncadd.s32 @!p0 s1  }
0x7e: {  	[bflag:$0x3] =	sbarrier.arrive $0xFFFF  }
0x7f: {  	_ =	shalt  }

// kernel: sparse-core-data-format-call.1.cloned.1.call-start
scs
called_computation.1_lowered:
.L_overlay_start_0:
0x0: {  	s2 =	sld [smem:$0x3FD9]  }
0x1: {  	s3 =	sld [smem:$0x3FFE];
	_ =	sdelay $0x1  }
0x2: {  	s1 =	srdreg.scid  }
0x3: {  	s0 =	sand.u32 $0x1, s1  }
0x4: {  	s18 =	sshll.u32 s0, $0xA;
	s2 =	sadd.s32 s3, s2  }
0x5: {  	s2 =	sadd.s32 s2, s18  }
0x6: {  	[smem:$0x3FC7] =	sst s2  }
0x7: {  	_ = 	snop  }
0x8: {  	s2 =	sld [smem:$0x3FC9];
	(tm) =	ssettm $0x1  }
0x9: {  	s19 =	sld [smem:$0x3FFB];
	_ =	sdelay $0x3  }
0xa: {  	_ =	strace s19  }
0xb: {  	s3 =	sld [smem:$0x3FFC];
	_ =	sdelay $0x3  }
0xc: {  	_ =	strace s3  }
0xd: {  	s3 =	sld [smem:$0x3FFD];
	_ =	sdelay $0x3  }
0xe: {  	_ =	strace s3  }
0xf: {  	_ =	strace $0x8FFFFFFF  }
0x10: {  	s20 =	sld [smem:$0x3FDB];
	_ =	sdelay $0x1  }
0x11: {  	s4 =	simm.s32 $_scs_section_size  }
0x12: {  	s5 =	simm.s32 $_size__tile_overlayer_lowered;
	s6 =	simm.s32 $_tile_overlayer_lowered  }
0x13: {  	s23 =	simm.s32 $0x1BFF;
	s22 =	sshll.u32 s6, $0x1;
	s3 =	sadd.s32 s4, s20  }
0x14: {  	s7 =	simm.s32 $0x0;
	s21 =	sshll.u32 s5, $0x1;
	s5 =	sadd.s32 s22, s3  }
0x15: {  	[timem:s7], [sflag:s23] =	dma.local [hbm:s5], s21  }
0x16: {  	_ =	swait.ge [sflag:s23], s21  }
0x17: {  	s4 =	ssub.s32 $0x0, s21;
	[sflag:s23] =	ssyncset.done $0x0  }
0x18: {  	[sflag:s23] =	ssyncadd.s32 s4;
	_ =	sdelay $0x1  }
0x19: {  	s24 =	simm.s32 $0x1B8B  }
0x1a: {  	_ =	swait.ge [sflag:s24], $0x1  }
0x1b: {  	[sflag:s24] =	ssyncset.done $0x0  }
0x1c: {  	s26 =	simm.s32 $0x1B8E;
	s25 =	sld [smem:$0x3FFE];
	[sflag:s24] =	ssyncadd.s32 $0xFFFFFFFF  }
0x1d: {  	s27 =	simm.s32 $execute0_lowered;
	[smem:$0x3FD2] =	sst s26  }
0x1e: {  	s5 =	sshll.u32 s27, $0x1;
	_ =	strace $0x80000046;
	[dreg:$0x1] =	wrdreg $0xFFFFFFFF  }
0x1f: {  	s28 =	simm.s32 $_size_execute0_lowered;
	s3 =	sadd.s32 s3, s5;
	[dreg:$0x0] =	wrdreg $0x0  }
0x20: {  	s5 =	sshll.u32 s28, $0x1;
	[dreg:$0x2] =	wrdreg s3  }
0x21: {  	[dreg:$0x3] =	wrdreg s5  }
0x22: {  	[dreg:$0x4] =	wrdreg $0xC0  }
0x23: {  	_ =	task [dreg:s7], $0x5FFFF  }
0x24: {  	[dreg:$0x1] =	wrdreg $0xFFFFFFFF  }
0x25: {  	[dreg:$0x0] =	wrdreg $0x60  }
0x26: {  	[dreg:$0x2] =	wrdreg s2  }
0x27: {  	[dreg:$0x3] =	wrdreg s25  }
0x28: {  	[dreg:$0x4] =	wrdreg $0x9  }
0x29: {  	_ =	task.clear_ibuf [dreg:s7], $0x5FFFF;
	_ =	strace $0x90000046  }
0x2a: {  	s29 =	simm.s32 $0x9;
	_ =	strace $0x80000048  }
0x2b: {  	_ =	swait.ge [sflag:s29], $0x1  }
0x2c: {  	[sflag:s29] =	ssyncadd.s32 $0xFFFFFFFF  }
0x2d: {  	_ =	strace $0x90000048  }
0x2e: {  	_ =	sfence  }
0x2f: {  	s30 =	sld [smem:$0x0];
	_ =	sdelay $0x2  }
0x30: {  	s31 =	sshll.u32 s1, $0xD;
	s1 =	sshrl.u32 s1, $0x2  }
0x31: {  	s3 =	sand.u32 $0x4000, s31;
	s1 =	sadd.s32 s1, s30  }
0x32: {  	s0 =	sor.u32 s3, s0;
	s1 =	sshll.u32 s1, $0x11  }
0x33: {  	s0 =	sor.u32 s1, s0  }
0x34: {  	s0 =	sadd.s32 $0x8F2B, s0  }
0x35: {  	[sflag:s0] =	ssyncadd.remote.s32 $0x1  }
0x36: {  	_ =	sfence.sel $0xFFFF  }
0x37: {  	[dreg:$0x0] =	wrdreg $0xFFFFFFFF;
	(pc) =	sbr.abs _section_cstart, $3  }
0x38: {  	[dreg:$0x1] =	wrdreg $0xFFFFFFFF  }
0x39: {  	_ =	task.clear_ibuf [dreg:s7], $0x2FFFF;
	_ =	strace $0x9FFFFFFF  }
0x3a: {  	(tm) =	ssettm $0x7FFFFFFF  }
0x3b: {  	_ =	shalt  }
tec
execute0_lowered:
.L_overlay_start_1:
0x0: {  	(tag) =	ssettag $0x1  }
0x1: {  	s2 =	rddreg [dreg:$0x0]  }
0x2: {  	s1 =	rddreg [dreg:$0x1]  }
0x3: {  	s0 =	rddreg [dreg:$0x2];
	s4 =	srdreg.scid  }
0x4: {  	_ =	strace $0x80000047;
	s7 =	simm.s32 $0x2;
	s16 =	simm.s32 $0x0  }
0x5: {  	p0 =	por $0x0, $0x0;
	s13 =	simm.s32 $0x0;
	s14 =	simm.s32 $0x0  }
0x6: {  	s15 =	simm.s32 $0x0;
	s9 =	simm.s32 $0x0;
	s10 =	simm.s32 $0x0  }
.Ltmp0:
0x7: {  	s3 =	sadd.s32 $0xE00, s1;
	s4 =	sshll.u32 s4, $0x4;
	(pc) =	sbr.rel .LBB1_1-.Ltmp0, $4  }
0x8: {  	s1 =	stileid.u32;
	s5 =	sand.u32 $0x10, s4;
	s4 =	simm.s32 $0x1  }
0x9: {  	s8 =	simm.s32 $0x0;
	s6 =	sor.u32 s1, s5;
	[sflag:s4] =	ssyncpa.u1 $0x0  }
0xa: {  	s5 =	sand.u32 $0x3, s1;
	s6 =	sshrl.u32 s6, $0x2;
	[sflag:s7] =	ssyncpa.u1 $0x0  }
0xb: {  	s7 =	simm.s32 $0xC00;
	s12 =	smov.u32 s5;
	s11 =	smov.u32 s6  }
.LBB1_3:
0xc: {  	p1 =	seq.s32 s8, $0x0  }
0xd: {  	p2 =	seq.s32 @!p1 s8, $0x91  }
0xe: {  	p1 =	por p1, p2  }
.Ltmp1:
0xf: {  	_ = 	snop;
	(pc) =	sbr.rel @!p1 .LBB1_4-.Ltmp1, $1  }
0x10: {  	_ =	sdelay $0x3  }
.LBB1_7:
0x11: {  	s17 =	sadd.s32 $0x80, s9  }
0x12: {  	s13 =	sadd.s32 $0x80, s10;
	s18 =	smov.u32 s10;
	p2 =	sgt.s32 s17, $0x17F  }
0x13: {  	s18 =	smov.u32 @p2 s13  }
0x14: {  	s19 =	smov.u32 s11;
	s13 =	sadd.s32 $0x8, s11;
	p3 =	sgt.s32 s18, $0x5F  }
0x15: {  	s19 =	smov.u32 @p3 s13  }
0x16: {  	s20 =	smov.u32 s12;
	s13 =	sadd.s32 $0x4, s12;
	p4 =	sgt.s32 s19, $0x17F  }
0x17: {  	p1 =	slt.u32 s8, $0x2;
	s20 =	smov.u32 @p4 s13  }
0x18: {  	s8 =	sadd.s32 $0x1, s8;
	s17 =	simm.s32 @p2 $0x0;
	p2 =	sgt.s32 s20, $0x3  }
0x19: {  	s16 =	smov.u32 s9;
	s20 =	smov.u32 @p2 s5;
	p2 =	sne.s32 s8, $0x92  }
.Ltmp2:
0x1a: {  	s14 =	smov.u32 s11;
	s21 =	simm.s32 @!p1 $0x2;
	(pc) =	sbr.rel @!p2 .LBB1_8-.Ltmp2, $4  }
0x1b: {  	s15 =	smov.u32 s12;
	p0 =	por !p0, !p0;
	_ =	swait.ge @!p1 [sflag:s21], $0x4000  }
0x1c: {  	[sflag:s21] =	ssyncset.done @!p1 $0x0;
	s9 =	smov.u32 s17;
	s18 =	simm.s32 @p3 $0x0  }
0x1d: {  	[sflag:s21] =	ssyncadd.s32 @!p1 $0xFFFFC000;
	s19 =	smov.u32 @p4 s6;
	s13 =	smov.u32 s10  }
0x1e: {  	s10 =	smov.u32 s18;
	s11 =	smov.u32 s19;
	s12 =	smov.u32 s20  }
.LBB1_1:
0x1f: {  	p1 =	sgt.u32 s8, $0x8F  }
.Ltmp3:
0x20: {  	_ = 	snop;
	(pc) =	sbr.rel @p1 .LBB1_3-.Ltmp3, $1  }
0x21: {  	_ =	sdelay $0x3  }
0x22: {  	s17 =	sshrl.u32 s10, $0x3  }
0x23: {  	s18 =	sshll.u32 s9, $0x3;
	s17 =	smul.u32 $0xC00, s17  }
0x24: {  	s19 =	sshll.u32 s10, $0x7;
	s18 =	sand.u32 $0xFFFFFC00, s18  }
0x25: {  	s24 =	sand.u32 $0x380, s19;
	s17 =	sadd.s32 s17, s18  }
0x26: {  	s25 =	sand.u32 $0x7F, s9;
	s17 =	sor.u32 s24, s17  }
0x27: {  	p1 =	sgt.s32 s12, $0x3;
	s20 =	smov.u32 s12;
	s18 =	sor.u32 s25, s17  }
0x28: {  	s21 =	sshra.s32 s12, $0x1F;
	s22 =	sxor.u32 $0xFFFFFFFF, s8;
	s19 =	smulhi.u32 $0xAAAAAAAB, s18  }
0x29: {  	s28 =	sshra.s32 s11, $0x1F;
	s20 =	simm.s32 @!p1 $0x3;
	s21 =	sand.u32 s21, s12  }
0x2a: {  	s23 =	sshra.s32 s10, $0x1F;
	s20 =	ssub.s32 s20, s21;
	s19 =	sshrl.u32 s19, $0x8  }
0x2b: {  	s31 =	sshra.s32 s9, $0x1F;
	s27 =	sadd.s32 $0xFFFFFFFD, s20;
	s19 =	smul.u32 $0x180, s19  }
0x2c: {  	s26 =	sshll.u32 s22, $0xE;
	s22 =	sand.u32 s28, s11;
	p1 =	sgt.s32 s27, $0x0  }
0x2d: {  	s17 =	smulhi.u32 $0xAAAAAAAB, s17;
	s18 =	ssub.s32 s18, s19;
	s19 =	ssub.s32 $0x4, s20  }
0x2e: {  	s20 =	smov.u32 s11;
	s19 =	simm.s32 @p1 $0x0;
	p1 =	sgt.s32 s11, $0x17F  }
0x2f: {  	s23 =	sand.u32 s23, s10;
	s17 =	sshrl.u32 s17, $0x8;
	s20 =	simm.s32 @!p1 $0x17F  }
0x30: {  	p1 =	sgt.s32 s10, $0xFFFFFFE0;
	s20 =	ssub.s32 s20, s22;
	s22 =	smov.u32 s10  }
0x31: {  	s29 =	smulhi.u32 $0x2AAAAAB, s17;
	s24 =	sadd.s32 $0xFFFFFE81, s20;
	s22 =	simm.s32 @!p1 $0xFFFFFFE0  }
0x32: {  	s20 =	ssub.s32 $0x180, s20;
	p1 =	sgt.s32 s24, $0x0;
	s22 =	ssub.s32 s22, s23  }
0x33: {  	s23 =	smul.u32 $0x60, s29;
	s20 =	simm.s32 @p1 $0x0;
	s30 =	sadd.s32 $0x20, s22  }
0x34: {  	s19 =	smul.u32 s19, s20;
	p1 =	sgt.s32 s30, $0x7F;
	s20 =	ssub.s32 $0x60, s22  }
0x35: {  	s22 =	smov.u32 s9;
	s20 =	simm.s32 @p1 $0x0;
	p1 =	sgt.s32 s9, $0x100  }
0x36: {  	s27 =	smul.u32 $0x1200, s11;
	s24 =	sand.u32 s31, s9;
	s22 =	simm.s32 @!p1 $0x100  }
0x37: {  	s17 =	ssub.s32 s17, s23;
	s19 =	smul.u32 s20, s19;
	s25 =	ssub.s32 s22, s24  }
0x38: {  	s20 =	sand.u32 $0x4000, s26;
	s26 =	smul.u32 $0x1B0000, s12;
	s22 =	sadd.s32 $0xFFFFFF00, s25  }
0x39: {  	s17 =	smul.u32 $0x30, s17;
	s21 =	ssub.s32 $0x180, s25;
	p1 =	sgt.s32 s22, $0x7F  }
.Ltmp4:
0x3a: {  	s23 =	sadd.s32 s2, s26;
	s21 =	simm.s32 @p1 $0x0;
	(pc) =	sbr.rel .LBB1_3-.Ltmp4, $4  }
0x3b: {  	s29 =	sand.u32 $0x7, s18;
	s28 =	sadd.s32 s27, s23;
	s19 =	smul.u32 s21, s19  }
0x3c: {  	s18 =	sshrl.u32 s18, $0x3;
	s30 =	sshll.u32 s29, $0x12;
	s17 =	sadd.s32 s17, s28  }
0x3d: {  	s31 =	sor.u32 $0x400, s30;
	s17 =	sadd.s32 s18, s17;
	s19 =	sand.u32 $0x3FFFFFFF, s19  }
0x3e: {  	[tilespmem:s20], [sflag:$0x1] =	stream.strided.gather [hbm4b:s17+s31], s19, s7, s31, $0x38;
	[tilespmem:$0x10100] =	vst v63  }
.LBB1_4:
0x3f: {  	p1 =	sgt.s32 s15, $0x3;
	s17 =	smov.u32 s15;
	s18 =	sshra.s32 s15, $0x1F  }
0x40: {  	s19 =	smov.u32 s14;
	s20 =	sshra.s32 s14, $0x1F;
	s25 =	sshra.s32 s13, $0x1F  }
0x41: {  	s17 =	simm.s32 @!p1 $0x3;
	s18 =	sand.u32 s18, s15;
	p1 =	sgt.s32 s14, $0x17F  }
0x42: {  	s23 =	sand.u32 s20, s14;
	s17 =	ssub.s32 s17, s18;
	s19 =	simm.s32 @!p1 $0x17F  }
0x43: {  	s27 =	sshra.s32 s16, $0x1F;
	s24 =	sadd.s32 $0xFFFFFFFD, s17;
	s18 =	ssub.s32 s19, s23  }
0x44: {  	s17 =	ssub.s32 $0x4, s17;
	p1 =	sgt.s32 s24, $0x0;
	s19 =	sadd.s32 $0xFFFFFE81, s18  }
0x45: {  	s18 =	ssub.s32 $0x180, s18;
	s17 =	simm.s32 @p1 $0x0;
	p1 =	sgt.s32 s19, $0x0  }
0x46: {  	s19 =	smov.u32 s13;
	s18 =	simm.s32 @p1 $0x0;
	p1 =	sgt.s32 s13, $0xFFFFFFE0  }
0x47: {  	s26 =	sand.u32 s25, s13;
	s17 =	smul.u32 s17, s18;
	s19 =	simm.s32 @!p1 $0xFFFFFFE0  }
0x48: {  	p1 =	sgt.s32 s16, $0x100;
	s18 =	ssub.s32 s19, s26;
	s19 =	smov.u32 s16  }
0x49: {  	s20 =	sand.u32 s27, s16;
	s21 =	sadd.s32 $0x20, s18;
	s19 =	simm.s32 @!p1 $0x100  }
0x4a: {  	s18 =	ssub.s32 $0x60, s18;
	p1 =	sgt.s32 s21, $0x7F;
	s19 =	ssub.s32 s19, s20  }
0x4b: {  	s18 =	simm.s32 @p1 $0x0;
	s20 =	sadd.s32 $0xFFFFFF00, s19  }
0x4c: {  	s17 =	smul.u32 s18, s17;
	p1 =	sgt.s32 s20, $0x7F;
	s18 =	ssub.s32 $0x180, s19  }
0x4d: {  	s18 =	simm.s32 @p1 $0x0  }
0x4e: {  	s17 =	smul.u32 s18, s17;
	_ =	sdelay $0x1  }
0x4f: {  	s18 =	simm.s32 $0x1;
	s17 =	sand.u32 $0x3FFFFFFF, s17  }
0x50: {  	s18 =	simm.s32 @!p0 $0x0;
	_ =	swait.ge [sflag:s4], s17  }
0x51: {  	s28 =	sshll.u32 s18, $0xE;
	s17 =	ssub.s32 $0x0, s17;
	[sflag:s4] =	ssyncset.done $0x0  }
0x52: {  	s29 =	sor.u32 $0x40, s28;
	[sflag:s4] =	ssyncadd.s32 s17  }
0x53: {  	s30 =	smul.u32 $0x10200, s18;
	v0 =	vld [tilespmem:s29+$0x30]  }
0x54: {  	v1 =	vld [tilespmem:s29+$0xFFFFFFD0]  }
0x55: {  	s17 =	sshrl.u32 s30, $0x2;
	v5 =	vld [tilespmem:s29+$0xFFFFFFE0]  }
0x56: {  	s18 =	sor.u32 $0x8000, s17;
	v6 =	vld [tilespmem:s29+$0xFFFFFFF0]  }
0x57: {  	s31 =	sand.u32 $0x1, s8;
	v4 =	vld [tilespmem:s29+$0x0];
	s19 =	sadd.s32 $0x0, s18  }
0x58: {  	s17 =	smul.u32 $0x10200, s31;
	v2 =	vld [tilespmem:s29+$0x10];
	[tilespmem:s19+$0x3870 ss:$0x81] =	vst.msk $0xffff, v0  }
0x59: {  	v3 =	vld [tilespmem:s29+$0x20];
	[tilespmem:s19+$0x810 ss:$0x81] =	vst.msk $0xffff, v1  }
0x5a: {  	s20 =	sadd.s32 $0x80, s29;
	s17 =	sshrl.u32 s17, $0x2;
	v0 =	vld [tilespmem:s29+$0xFFFFFFC0];
	[tilespmem:s19+$0x1020 ss:$0x81] =	vst.msk $0xffff, v5  }
0x5b: {  	s22 =	simm.s32 $0x8;
	s21 =	simm.s32 $0x4;
	s17 =	sor.u32 $0x8000, s17;
	v1 =	vld [tilespmem:s20+$0x30];
	[tilespmem:s19+$0x1830 ss:$0x81] =	vst.msk $0xffff, v6  }
.LBB1_5:
0x5c: {  	p1 =	sne.s32 s22, $0x1FC;
	v5 =	vld [tilespmem:s20+$0xFFFFFFD0];
	[tilespmem:s19+$0x2040 ss:$0x81] =	vst.msk $0xffff, v4  }
0x5d: {  	v6 =	vld [tilespmem:s20+$0xFFFFFFE0];
	[tilespmem:s19+$0x2850 ss:$0x81] =	vst.msk $0xffff, v2  }
0x5e: {  	s23 =	sshra.s32 s21, $0x2;
	s21 =	smov.u32 s22;
	v7 =	vld [tilespmem:s20+$0xFFFFFFF0];
	[tilespmem:s19+$0x3060 ss:$0x81] =	vst.msk $0xffff, v3  }
.Ltmp5:
0x5f: {  	v4 =	vld [tilespmem:s20+$0x0];
	[tilespmem:s19+$0x0 ss:$0x81] =	vst.msk $0xffff, v0;
	s19 =	sadd.s32 s23, s18;
	(pc) =	sbr.rel @p1 .LBB1_5-.Ltmp5, $4  }
0x60: {  	v2 =	vld [tilespmem:s20+$0x10];
	[tilespmem:s19+$0x3870 ss:$0x81] =	vst.msk $0xffff, v1  }
0x61: {  	[tilespmem:s19+$0x810 ss:$0x81] =	vst.msk $0xffff, v5;
	v3 =	vld [tilespmem:s20+$0x20]  }
0x62: {  	v0 =	vld [tilespmem:s20+$0xFFFFFFC0];
	[tilespmem:s19+$0x1020 ss:$0x81] =	vst.msk $0xffff, v6;
	s20 =	sadd.s32 $0x80, s20  }
0x63: {  	s22 =	sadd.s32 $0x4, s22;
	v1 =	vld [tilespmem:s20+$0x30];
	[tilespmem:s19+$0x1830 ss:$0x81] =	vst.msk $0xffff, v7  }
0x64: {  	s16 =	sshll.u32 s16, $0x7;
	s22 =	sshll.u32 s13, $0x3;
	v5 =	vld [tilespmem:s20+$0xFFFFFFD0];
	[tilespmem:s19+$0x2040 ss:$0x81] =	vst.msk $0xffff, v4  }
0x65: {  	v58 =	vld [tilespmem:s20+$0xFFFFFFE0];
	s23 =	sand.u32 $0xFFFFFC00, s16;
	s22 =	sand.u32 $0xFFFFFC00, s22;
	[tilespmem:s19+$0x2850 ss:$0x81] =	vst.msk $0xffff, v2  }
0x66: {  	s21 =	sshra.s32 s21, $0x2;
	v59 =	vld [tilespmem:s20+$0xFFFFFFF0];
	s16 =	sand.u32 $0x380, s16;
	s22 =	sadd.s32 s22, s23;
	[tilespmem:s19+$0x3060 ss:$0x81] =	vst.msk $0xffff, v3  }
0x67: {  	v60 =	vld [tilespmem:s20+$0x0];
	s18 =	sadd.s32 s21, s18;
	s16 =	sor.u32 s16, s22;
	[tilespmem:s19+$0x0 ss:$0x81] =	vst.msk $0xffff, v0  }
0x68: {  	v61 =	vld [tilespmem:s20+$0x10];
	s15 =	smul.u32 $0x240000, s15;
	s16 =	sshrl.u32 s16, $0x7;
	[tilespmem:s18+$0x3870 ss:$0x81] =	vst.msk $0xffff, v1  }
0x69: {  	v62 =	vld [tilespmem:s20+$0x20];
	s27 =	smulhi.u32 $0xAAAAAB, s16;
	[tilespmem:s18+$0x810 ss:$0x81] =	vst.msk $0xffff, v5  }
0x6a: {  	v63 =	vld [tilespmem:s20+$0xFFFFFFC0];
	s14 =	smul.u32 $0x1800, s14;
	[tilespmem:s18+$0x1020 ss:$0x81] =	vst.msk $0xffff, v58  }
0x6b: {  	[tilespmem:s18+$0x1830 ss:$0x81] =	vst.msk $0xffff, v59;
	s19 =	smul.u32 $0x180, s27  }
.Ltmp6:
0x6c: {  	s28 =	sshrl.u32 s13, $0x3;
	s15 =	sadd.s32 s3, s15;
	[tilespmem:s18+$0x2040 ss:$0x81] =	vst.msk $0xffff, v60;
	(pc) =	sbr.rel .LBB1_7-.Ltmp6, $4  }
0x6d: {  	s29 =	sand.u32 $0xF, s28;
	s14 =	sadd.s32 s14, s15;
	[tilespmem:s18+$0x2850 ss:$0x81] =	vst.msk $0xffff, v61;
	s16 =	ssub.s32 s16, s19  }
0x6e: {  	s14 =	sadd.s32 s29, s14;
	[tilespmem:s18+$0x3060 ss:$0x81] =	vst.msk $0xffff, v62;
	s30 =	sshll.u32 s16, $0x4  }
0x6f: {  	s31 =	sand.u32 $0x7, s13;
	[tilespmem:s18+$0x0 ss:$0x81] =	vst.msk $0xffff, v63;
	s14 =	sadd.s32 s30, s14  }
0x70: {  	[hbm4b:s14+s31] =	stream.linear.scatter [tilespmem:s17], [sflag:$0x2], $0x4000, $0x20;
	[tilespmem:$0x10100] =	vst v63  }
.LBB1_8:
0x71: {  	_ =	sfence.sel $0x180000  }
0x72: {  	s2 =	simm.s32 $0x1;
	[bflag:$0x0] =	sbarrier.arrive $0xFFFF  }
0x73: {  	s31 =	simm.s32 $0x2;
	[sflag:s2] =	ssyncpa.u1 $0x1  }
0x74: {  	[sflag:s31] =	ssyncpa.u1 $0x1  }
0x75: {  	p0 =	sne.s32 s1, $0x0;
	_ =	strace $0x90000047  }
0x76: {  	s0 =	sadd.s32 @!p0 $0x100000, s0;
	[bflag:$0x2] =	sbarrier.arrive $0xFFFF  }
0x77: {  	[sflag:s0] =	ssyncadd.tile.s32 @!p0 $0x1;
	_ =	shalt  }
.Lfunc_end1:
_tile_overlayer_lowered:
.L_overlay_start_2:
0x78: {  	(tag) =	ssettag $0x2  }
0x79: {  	s0 =	rddreg [dreg:$0x0];
	s2 =	stileid.u32  }
0x7a: {  	s1 =	rddreg [dreg:$0x1];
	p0 =	sne.s32 s2, $0x0  }
0x7b: {  	s3 =	rddreg [dreg:$0x2];
	[bflag:$0x3] =	sbarrier.arrive $0xFFFF;
	s2 =	simm.s32 @!p0 $0x1C01  }
0x7c: {  	[timem:s3], [sflag:s2] =	dma.local @!p0 [hbm:s0], s1  }
0x7d: {  	s0 =	simm.s32 @!p0 $0x1  }
0x7e: {  	_ =	swait.ge @!p0 [sflag:s0], s1  }
0x7f: {  	s1 =	ssub.s32 @!p0 $0x0, s1;
	[sflag:s0] =	ssyncset.done @!p0 $0x0  }
0x80: {  	[sflag:s0] =	ssyncadd.s32 @!p0 s1  }
0x81: {  	[bflag:$0x3] =	sbarrier.arrive $0xFFFF  }
0x82: {  	_ =	shalt  }

// kernel: sparse-core-data-format-call.cloned.1.call-start
scs
called_computation_lowered:
.L_overlay_start_0:
0x0: {  	s2 =	sld [smem:$0x3FD9]  }
0x1: {  	s3 =	sld [smem:$0x3FFE];
	_ =	sdelay $0x1  }
0x2: {  	s1 =	srdreg.scid  }
0x3: {  	s0 =	sand.u32 $0x1, s1  }
0x4: {  	s18 =	sshll.u32 s0, $0xA;
	s2 =	sadd.s32 s3, s2  }
0x5: {  	s2 =	sadd.s32 s2, s18  }
0x6: {  	[smem:$0x3FC7] =	sst s2  }
0x7: {  	_ = 	snop  }
0x8: {  	s2 =	sld [smem:$0x3FD0];
	(tm) =	ssettm $0x1  }
0x9: {  	s19 =	sld [smem:$0x3FFB];
	_ =	sdelay $0x3  }
0xa: {  	_ =	strace s19  }
0xb: {  	s3 =	sld [smem:$0x3FFC];
	_ =	sdelay $0x3  }
0xc: {  	_ =	strace s3  }
0xd: {  	s3 =	sld [smem:$0x3FFD];
	_ =	sdelay $0x3  }
0xe: {  	_ =	strace s3  }
0xf: {  	_ =	strace $0x8FFFFFFF  }
0x10: {  	s20 =	sld [smem:$0x3FDB];
	_ =	sdelay $0x1  }
0x11: {  	s4 =	simm.s32 $_scs_section_size  }
0x12: {  	s5 =	simm.s32 $_size__tile_overlayer_lowered;
	s6 =	simm.s32 $_tile_overlayer_lowered  }
0x13: {  	s23 =	simm.s32 $0x1BFF;
	s22 =	sshll.u32 s6, $0x1;
	s3 =	sadd.s32 s4, s20  }
0x14: {  	s7 =	simm.s32 $0x0;
	s21 =	sshll.u32 s5, $0x1;
	s5 =	sadd.s32 s22, s3  }
0x15: {  	[timem:s7], [sflag:s23] =	dma.local [hbm:s5], s21  }
0x16: {  	_ =	swait.ge [sflag:s23], s21  }
0x17: {  	s4 =	ssub.s32 $0x0, s21;
	[sflag:s23] =	ssyncset.done $0x0  }
0x18: {  	[sflag:s23] =	ssyncadd.s32 s4;
	_ =	sdelay $0x1  }
0x19: {  	s24 =	simm.s32 $0x1B8B  }
0x1a: {  	_ =	swait.ge [sflag:s24], $0x1  }
0x1b: {  	[sflag:s24] =	ssyncset.done $0x0  }
0x1c: {  	s26 =	simm.s32 $0x1B8E;
	s25 =	sld [smem:$0x3FFE];
	[sflag:s24] =	ssyncadd.s32 $0xFFFFFFFF  }
0x1d: {  	s27 =	simm.s32 $execute0_lowered;
	[smem:$0x3FD2] =	sst s26  }
0x1e: {  	s5 =	sshll.u32 s27, $0x1;
	_ =	strace $0x8000004C;
	[dreg:$0x1] =	wrdreg $0xFFFFFFFF  }
0x1f: {  	s28 =	simm.s32 $_size_execute0_lowered;
	s3 =	sadd.s32 s3, s5;
	[dreg:$0x0] =	wrdreg $0x0  }
0x20: {  	s5 =	sshll.u32 s28, $0x1;
	[dreg:$0x2] =	wrdreg s3  }
0x21: {  	[dreg:$0x3] =	wrdreg s5  }
0x22: {  	[dreg:$0x4] =	wrdreg $0xC0  }
0x23: {  	_ =	task [dreg:s7], $0x5FFFF  }
0x24: {  	[dreg:$0x1] =	wrdreg $0xFFFFFFFF  }
0x25: {  	[dreg:$0x0] =	wrdreg $0x60  }
0x26: {  	[dreg:$0x2] =	wrdreg s25  }
0x27: {  	[dreg:$0x3] =	wrdreg s2  }
0x28: {  	[dreg:$0x4] =	wrdreg $0x9  }
0x29: {  	_ =	task.clear_ibuf [dreg:s7], $0x5FFFF;
	_ =	strace $0x9000004C  }
0x2a: {  	s29 =	simm.s32 $0x9;
	_ =	strace $0x8000004E  }
0x2b: {  	_ =	swait.ge [sflag:s29], $0x1  }
0x2c: {  	[sflag:s29] =	ssyncadd.s32 $0xFFFFFFFF  }
0x2d: {  	_ =	strace $0x9000004E  }
0x2e: {  	_ =	sfence  }
0x2f: {  	s30 =	sld [smem:$0x0];
	_ =	sdelay $0x2  }
0x30: {  	s31 =	sshll.u32 s1, $0xD;
	s1 =	sshrl.u32 s1, $0x2  }
0x31: {  	s3 =	sand.u32 $0x4000, s31;
	s1 =	sadd.s32 s1, s30  }
0x32: {  	s0 =	sor.u32 s3, s0;
	s1 =	sshll.u32 s1, $0x11  }
0x33: {  	s0 =	sor.u32 s1, s0  }
0x34: {  	s0 =	sadd.s32 $0x8F2B, s0  }
0x35: {  	[sflag:s0] =	ssyncadd.remote.s32 $0x1  }
0x36: {  	_ =	sfence.sel $0xFFFF  }
0x37: {  	[dreg:$0x0] =	wrdreg $0xFFFFFFFF;
	(pc) =	sbr.abs _section_cstart, $3  }
0x38: {  	[dreg:$0x1] =	wrdreg $0xFFFFFFFF  }
0x39: {  	_ =	task.clear_ibuf [dreg:s7], $0x2FFFF;
	_ =	strace $0x9FFFFFFF  }
0x3a: {  	(tm) =	ssettm $0x7FFFFFFF  }
0x3b: {  	_ =	shalt  }
tec
execute0_lowered:
.L_overlay_start_1:
0x0: {  	(tag) =	ssettag $0x1  }
0x1: {  	s3 =	rddreg [dreg:$0x0]  }
0x2: {  	s2 =	rddreg [dreg:$0x1]  }
0x3: {  	s1 =	srdreg.scid;
	s0 =	rddreg [dreg:$0x2];
	_ =	strace $0x8000004D  }
0x4: {  	s7 =	simm.s32 $0x2;
	s15 =	simm.s32 $0x0;
	p0 =	por $0x0, $0x0  }
0x5: {  	s16 =	simm.s32 $0x0;
	s17 =	simm.s32 $0x0;
	s8 =	simm.s32 $0x0  }
0x6: {  	s10 =	simm.s32 $0x0;
	s11 =	simm.s32 $0x0;
	s12 =	simm.s32 $0x0  }
.Ltmp0:
0x7: {  	s9 =	simm.s32 $0x0;
	s4 =	sshll.u32 s1, $0x4;
	(pc) =	sbr.rel .LBB1_1-.Ltmp0, $4  }
0x8: {  	s1 =	stileid.u32;
	s3 =	sadd.s32 $0xE00, s3;
	s4 =	sand.u32 $0x10, s4  }
0x9: {  	s5 =	sand.u32 $0x3, s1;
	s6 =	sor.u32 s1, s4;
	s4 =	simm.s32 $0x1  }
0xa: {  	s14 =	smov.u32 s5;
	[sflag:s4] =	ssyncpa.u1 $0x0;
	s6 =	sshrl.u32 s6, $0x2  }
0xb: {  	[sflag:s7] =	ssyncpa.u1 $0x0;
	s7 =	simm.s32 $0xC00;
	s13 =	smov.u32 s6  }
.LBB1_5:
0xc: {  	p1 =	slt.u32 s9, $0x2;
	s18 =	smov.u32 s17  }
0xd: {  	p2 =	sgt.s32 @!p1 s17, $0x3;
	s19 =	sshra.s32 @!p1 s17, $0x1F;
	s20 =	sshra.s32 @!p1 s16, $0x1F  }
0xe: {  	p2 =	por !p2, p1;
	s17 =	sand.u32 @!p1 s19, s17;
	s19 =	smov.u32 s16  }
0xf: {  	s18 =	simm.s32 @p2 $0x3;
	p2 =	sgt.s32 @!p1 s16, $0x17F;
	s16 =	sand.u32 @!p1 s20, s16  }
0x10: {  	s20 =	sshra.s32 @!p1 s15, $0x1F;
	s17 =	ssub.s32 @!p1 s18, s17;
	p3 =	por !p2, p1  }
0x11: {  	s18 =	sadd.s32 @!p1 $0xFFFFFFFD, s17;
	s19 =	simm.s32 @p3 $0x17F;
	s17 =	ssub.s32 @!p1 $0x4, s17  }
0x12: {  	p3 =	sgt.s32 @!p1 s15, $0x100;
	p2 =	sgt.s32 @!p1 s18, $0x0;
	s16 =	ssub.s32 @!p1 s19, s16  }
0x13: {  	p3 =	por !p3, p1;
	s19 =	smov.u32 s15;
	s15 =	sand.u32 @!p1 s20, s15  }
0x14: {  	s17 =	smul.u32 @!p1 $0x60, s17;
	s18 =	sadd.s32 @!p1 $0xFFFFFE81, s16;
	s19 =	simm.s32 @p3 $0x100  }
0x15: {  	s16 =	ssub.s32 @!p1 $0x180, s16;
	p3 =	sgt.s32 @!p1 s18, $0x0;
	s15 =	ssub.s32 @!p1 s19, s15  }
0x16: {  	p2 =	por !p2, p1;
	p3 =	por !p3, p1;
	s18 =	sadd.s32 @!p1 $0xFFFFFF00, s15  }
0x17: {  	s17 =	simm.s32 @!p2 $0x0;
	s16 =	simm.s32 @!p3 $0x0;
	p3 =	sgt.s32 @!p1 s18, $0x7F  }
0x18: {  	s15 =	ssub.s32 @!p1 $0x180, s15;
	p2 =	por !p3, p1;
	s16 =	smul.u32 @!p1 s16, s17  }
0x19: {  	s19 =	smov.u32 s13;
	s18 =	sadd.s32 $0x80, s12;
	s15 =	simm.s32 @!p2 $0x0  }
0x1a: {  	p2 =	sgt.s32 s18, $0x17F;
	s15 =	smul.u32 @!p1 s15, s16;
	s16 =	sadd.s32 $0x8, s13  }
0x1b: {  	s19 =	smov.u32 @p2 s16  }
0x1c: {  	s21 =	smov.u32 s14;
	s16 =	sadd.s32 $0x4, s14;
	p3 =	sgt.s32 s19, $0x17F  }
0x1d: {  	s9 =	sadd.s32 $0x1, s9;
	p0 =	por !p0, !p0;
	s21 =	smov.u32 @p3 s16  }
0x1e: {  	s20 =	simm.s32 @!p1 $0x2;
	s18 =	simm.s32 @p2 $0x0;
	p2 =	sgt.s32 s21, $0x3  }
0x1f: {  	s17 =	smov.u32 s11;
	s21 =	smov.u32 @p2 s5;
	p2 =	sne.s32 s9, $0x92  }
.Ltmp1:
0x20: {  	s11 =	smov.u32 s14;
	s15 =	sand.u32 @!p1 $0x3FFFFFE0, s15;
	(pc) =	sbr.rel @!p2 .LBB1_6-.Ltmp1, $4  }
0x21: {  	_ =	swait.ge @!p1 [sflag:s20], s15;
	s22 =	ssub.s32 @!p1 $0x0, s15;
	s15 =	smov.u32 s8  }
0x22: {  	s16 =	smov.u32 s10;
	s19 =	smov.u32 @p3 s6;
	s8 =	smov.u32 s12  }
0x23: {  	s10 =	smov.u32 s13;
	s12 =	smov.u32 s18;
	[sflag:s20] =	ssyncset.done @!p1 $0x0  }
0x24: {  	s13 =	smov.u32 s19;
	[sflag:s20] =	ssyncadd.s32 @!p1 s22;
	s14 =	smov.u32 s21  }
.LBB1_1:
0x25: {  	p1 =	sgt.u32 s9, $0x8F  }
0x26: {  	s18 =	sand.u32 @!p1 $0x1FFFFFF, s12  }
0x27: {  	s19 =	smulhi.u32 @!p1 $0xAAAAAB, s18  }
0x28: {  	s20 =	smul.u32 @!p1 $0x240000, s14  }
0x29: {  	s19 =	smul.u32 @!p1 $0x180, s19  }
0x2a: {  	s21 =	smul.u32 @!p1 $0x1800, s13  }
0x2b: {  	s20 =	sadd.s32 @!p1 s3, s20;
	s18 =	ssub.s32 @!p1 s18, s19;
	s19 =	sxor.u32 @!p1 $0xFFFFFFFF, s9  }
0x2c: {  	s20 =	sadd.s32 @!p1 s21, s20;
	s19 =	sshll.u32 @!p1 s19, $0xE;
	s18 =	sshll.u32 @!p1 s18, $0x4  }
0x2d: {  	s19 =	sand.u32 @!p1 $0x4000, s19;
	s18 =	sadd.s32 @!p1 s18, s20;
	s20 =	simm.s32 @!p1 $0x0  }
0x2e: {  	[tilespmem:s19], [sflag:$0x1] =	stream.linear.gather @!p1 [hbm4b:s18+s20], $0x4000, $0x38;
	[tilespmem:$0x10100] =	vst v63  }
0x2f: {  	p1 =	seq.s32 s9, $0x0  }
0x30: {  	p2 =	seq.s32 @!p1 s9, $0x91  }
0x31: {  	p1 =	por p1, p2  }
.Ltmp2:
0x32: {  	_ = 	snop;
	(pc) =	sbr.rel @p1 .LBB1_5-.Ltmp2, $1  }
0x33: {  	_ =	sdelay $0x3  }
0x34: {  	s18 =	simm.s32 $0x1  }
0x35: {  	_ =	swait.ge [sflag:s4], $0x4000;
	s18 =	simm.s32 @!p0 $0x0  }
0x36: {  	[sflag:s4] =	ssyncset.done $0x0;
	s19 =	sshll.u32 s18, $0xE  }
0x37: {  	[sflag:s4] =	ssyncadd.s32 $0xFFFFC000;
	s19 =	sor.u32 $0x40, s19  }
0x38: {  	s18 =	smul.u32 $0x10200, s18;
	v0 =	vld [tilespmem:s19+$0x30]  }
0x39: {  	v1 =	vld [tilespmem:s19+$0xFFFFFFD0]  }
0x3a: {  	s18 =	sshrl.u32 s18, $0x2;
	v5 =	vld [tilespmem:s19+$0xFFFFFFE0]  }
0x3b: {  	v6 =	vld [tilespmem:s19+$0xFFFFFFF0];
	s21 =	sor.u32 $0x8000, s18  }
0x3c: {  	s31 =	sand.u32 $0x1, s9;
	v4 =	vld [tilespmem:s19+$0x0];
	s20 =	sadd.s32 $0x0, s21  }
0x3d: {  	v3 =	vld [tilespmem:s19+$0x10];
	s18 =	smul.u32 $0x10200, s31;
	[tilespmem:s20+$0x3870 ss:$0x81] =	vst.msk $0xffff, v0  }
0x3e: {  	v2 =	vld [tilespmem:s19+$0x20];
	[tilespmem:s20+$0x810 ss:$0x81] =	vst.msk $0xffff, v1  }
0x3f: {  	s18 =	sshrl.u32 s18, $0x2;
	v1 =	vld [tilespmem:s19+$0xFFFFFFC0];
	[tilespmem:s20+$0x1020 ss:$0x81] =	vst.msk $0xffff, v5;
	s19 =	sadd.s32 $0x80, s19  }
0x40: {  	s22 =	simm.s32 $0x4;
	s23 =	simm.s32 $0x8;
	s18 =	sor.u32 $0x8000, s18;
	[tilespmem:s20+$0x1830 ss:$0x81] =	vst.msk $0xffff, v6;
	v0 =	vld [tilespmem:s19+$0x30]  }
.LBB1_3:
0x41: {  	p1 =	sne.s32 s23, $0x1FC;
	v5 =	vld [tilespmem:s19+$0xFFFFFFD0];
	[tilespmem:s20+$0x2040 ss:$0x81] =	vst.msk $0xffff, v4  }
0x42: {  	v6 =	vld [tilespmem:s19+$0xFFFFFFE0];
	[tilespmem:s20+$0x2850 ss:$0x81] =	vst.msk $0xffff, v3  }
0x43: {  	s24 =	sshra.s32 s22, $0x2;
	s22 =	smov.u32 s23;
	v7 =	vld [tilespmem:s19+$0xFFFFFFF0];
	[tilespmem:s20+$0x3060 ss:$0x81] =	vst.msk $0xffff, v2  }
.Ltmp3:
0x44: {  	v4 =	vld [tilespmem:s19+$0x0];
	[tilespmem:s20+$0x0 ss:$0x81] =	vst.msk $0xffff, v1;
	s20 =	sadd.s32 s24, s21;
	(pc) =	sbr.rel @p1 .LBB1_3-.Ltmp3, $4  }
0x45: {  	v3 =	vld [tilespmem:s19+$0x10];
	[tilespmem:s20+$0x3870 ss:$0x81] =	vst.msk $0xffff, v0  }
0x46: {  	[tilespmem:s20+$0x810 ss:$0x81] =	vst.msk $0xffff, v5;
	v2 =	vld [tilespmem:s19+$0x20]  }
0x47: {  	v1 =	vld [tilespmem:s19+$0xFFFFFFC0];
	[tilespmem:s20+$0x1020 ss:$0x81] =	vst.msk $0xffff, v6;
	s19 =	sadd.s32 $0x80, s19  }
0x48: {  	s23 =	sadd.s32 $0x4, s23;
	v0 =	vld [tilespmem:s19+$0x30];
	[tilespmem:s20+$0x1830 ss:$0x81] =	vst.msk $0xffff, v7  }
0x49: {  	s23 =	sshll.u32 s8, $0x3  }
0x4a: {  	s24 =	sand.u32 $0x7F, s8;
	s22 =	sshra.s32 s22, $0x2;
	s23 =	sand.u32 $0xFFFFFC00, s23  }
0x4b: {  	p1 =	sgt.s32 s11, $0x3;
	s24 =	sor.u32 s24, s23;
	s23 =	smulhi.u32 $0xAAAAAAAB, s23  }
0x4c: {  	s26 =	sshra.s32 s11, $0x1F;
	s28 =	sshra.s32 s10, $0x1F;
	s25 =	smulhi.u32 $0xAAAAAAAB, s24  }
0x4d: {  	s21 =	sadd.s32 s22, s21;
	s26 =	sand.u32 s26, s11;
	s28 =	sand.u32 s28, s10  }
0x4e: {  	[tilespmem:s20+$0x2040 ss:$0x81] =	vst.msk $0xffff, v4;
	s23 =	sshrl.u32 s23, $0x8;
	s30 =	sshrl.u32 s25, $0x8;
	s25 =	smov.u32 s11  }
0x4f: {  	[tilespmem:s20+$0x2850 ss:$0x81] =	vst.msk $0xffff, v3;
	s27 =	smulhi.u32 $0x2AAAAAB, s23;
	s25 =	simm.s32 @!p1 $0x3;
	p1 =	sgt.s32 s10, $0x17F  }
0x50: {  	[tilespmem:s20+$0x3060 ss:$0x81] =	vst.msk $0xffff, v2;
	s22 =	smul.u32 $0x180, s30;
	s25 =	ssub.s32 s25, s26;
	s26 =	smov.u32 s10  }
0x51: {  	[tilespmem:s20+$0x0 ss:$0x81] =	vst.msk $0xffff, v1;
	s20 =	smov.u32 s8;
	s27 =	smul.u32 $0x60, s27;
	s26 =	simm.s32 @!p1 $0x17F  }
0x52: {  	v5 =	vld [tilespmem:s19+$0xFFFFFFD0];
	s31 =	sadd.s32 $0xFFFFFFFD, s25;
	s25 =	ssub.s32 $0x4, s25;
	s26 =	ssub.s32 s26, s28  }
0x53: {  	v58 =	vld [tilespmem:s19+$0xFFFFFFE0];
	s30 =	sshra.s32 s8, $0x1F;
	s25 =	smul.u32 $0x60, s25;
	s29 =	sadd.s32 $0xFFFFFE81, s26  }
0x54: {  	v59 =	vld [tilespmem:s19+$0xFFFFFFF0];
	p1 =	sgt.s32 s31, $0x0;
	s26 =	ssub.s32 $0x180, s26;
	p2 =	sgt.s32 s29, $0x0  }
0x55: {  	v60 =	vld [tilespmem:s19+$0x0];
	s25 =	simm.s32 @p1 $0x0;
	s26 =	simm.s32 @p2 $0x0;
	p2 =	sgt.s32 s8, $0x100  }
0x56: {  	v61 =	vld [tilespmem:s19+$0x10];
	[tilespmem:s21+$0x3870 ss:$0x81] =	vst.msk $0xffff, v0;
	s28 =	sand.u32 s30, s8;
	s20 =	simm.s32 @!p2 $0x100;
	s31 =	smul.u32 s26, s25  }
0x57: {  	v62 =	vld [tilespmem:s19+$0x20];
	[tilespmem:s21+$0x810 ss:$0x81] =	vst.msk $0xffff, v5;
	s25 =	ssub.s32 s23, s27;
	s27 =	smul.u32 $0x1B0000, s11;
	s20 =	ssub.s32 s20, s28  }
0x58: {  	v63 =	vld [tilespmem:s19+$0xFFFFFFC0];
	[tilespmem:s21+$0x1020 ss:$0x81] =	vst.msk $0xffff, v58;
	s22 =	ssub.s32 s24, s22;
	s28 =	smul.u32 $0x1200, s10;
	s26 =	sadd.s32 $0xFFFFFF00, s20  }
0x59: {  	[tilespmem:s21+$0x1830 ss:$0x81] =	vst.msk $0xffff, v59;
	s19 =	smul.u32 $0x30, s25;
	s20 =	ssub.s32 $0x180, s20;
	p1 =	sgt.s32 s26, $0x7F  }
.Ltmp4:
0x5a: {  	[tilespmem:s21+$0x2040 ss:$0x81] =	vst.msk $0xffff, v60;
	s25 =	sadd.s32 s2, s27;
	s20 =	simm.s32 @p1 $0x0;
	(pc) =	sbr.rel .LBB1_5-.Ltmp4, $4  }
0x5b: {  	[tilespmem:s21+$0x2850 ss:$0x81] =	vst.msk $0xffff, v61;
	s29 =	sand.u32 $0x7, s22;
	s23 =	sadd.s32 s28, s25;
	s20 =	smul.u32 s20, s31  }
0x5c: {  	[tilespmem:s21+$0x3060 ss:$0x81] =	vst.msk $0xffff, v62;
	s22 =	sshrl.u32 s22, $0x3;
	s30 =	sshll.u32 s29, $0x12;
	s19 =	sadd.s32 s19, s23  }
0x5d: {  	[tilespmem:s21+$0x0 ss:$0x81] =	vst.msk $0xffff, v63;
	s19 =	sadd.s32 s22, s19;
	s31 =	sor.u32 $0x400, s30;
	s20 =	sand.u32 $0x3FFFFFE0, s20  }
0x5e: {  	[hbm4b:s19+s31] =	stream.strided.scatter [tilespmem:s18], [sflag:$0x2], s20, s7, s31, $0x20;
	[tilespmem:$0x10100] =	vst v63  }
.LBB1_6:
0x5f: {  	_ =	sfence.sel $0x180000  }
0x60: {  	s2 =	simm.s32 $0x1;
	[bflag:$0x0] =	sbarrier.arrive $0xFFFF  }
0x61: {  	s31 =	simm.s32 $0x2;
	[sflag:s2] =	ssyncpa.u1 $0x1  }
0x62: {  	[sflag:s31] =	ssyncpa.u1 $0x1  }
0x63: {  	p0 =	sne.s32 s1, $0x0;
	_ =	strace $0x9000004D  }
0x64: {  	s0 =	sadd.s32 @!p0 $0x100000, s0;
	[bflag:$0x2] =	sbarrier.arrive $0xFFFF  }
0x65: {  	[sflag:s0] =	ssyncadd.tile.s32 @!p0 $0x1;
	_ =	shalt  }
.Lfunc_end1:
_tile_overlayer_lowered:
.L_overlay_start_2:
0x66: {  	(tag) =	ssettag $0x2  }
0x67: {  	s0 =	rddreg [dreg:$0x0];
	s2 =	stileid.u32  }
0x68: {  	s1 =	rddreg [dreg:$0x1];
	p0 =	sne.s32 s2, $0x0  }
0x69: {  	s3 =	rddreg [dreg:$0x2];
	[bflag:$0x3] =	sbarrier.arrive $0xFFFF;
	s2 =	simm.s32 @!p0 $0x1C01  }
0x6a: {  	[timem:s3], [sflag:s2] =	dma.local @!p0 [hbm:s0], s1  }
0x6b: {  	s0 =	simm.s32 @!p0 $0x1  }
0x6c: {  	_ =	swait.ge @!p0 [sflag:s0], s1  }
0x6d: {  	s1 =	ssub.s32 @!p0 $0x0, s1;
	[sflag:s0] =	ssyncset.done @!p0 $0x0  }
0x6e: {  	[sflag:s0] =	ssyncadd.s32 @!p0 s1  }
0x6f: {  	[bflag:$0x3] =	sbarrier.arrive $0xFFFF  }
0x70: {  	_ =	shalt  }

</sc_bundles>
